<compile_context>
chip_gen: v7x
topology: tpu7x:2x2x1
jax: 0.10.2.dev20260603
libtpu: 0.0.44.dev20260713+nightly
codegen_flags: <defaults>
</compile_context>

<pallas_src>
import functools

import jax
import jax.numpy as jnp
from jax import lax
from jax.experimental import pallas as pl
from jax.experimental.pallas import tpu as pltpu
from jax.experimental.pallas import tpu_sc as plsc

_B = 32
_F = 32 * 32 * 768
_CH = 32768
_UN = 16
_NC = 2


@functools.partial(
    pl.kernel,
    mesh=plsc.VectorSubcoreMesh(core_axis_name="c", subcore_axis_name="s"),
    out_type=jax.ShapeDtypeStruct((_B, _F), jnp.float32),
    scratch_types=[
        pltpu.VMEM((_B,), jnp.int32),
        pltpu.VMEM((_B, 128), jnp.float32),
        pltpu.VMEM((_B, 128), jnp.float32),
        pltpu.VMEM((_CH,), jnp.float32),
        pltpu.VMEM((_CH,), jnp.float32),
        pltpu.SemaphoreType.DMA,
    ],
)
def _sc_fma(x_hbm, idx_hbm, sites_hbm, masks_hbm, out_hbm,
            idx_v, srows, mrows, xbuf, obuf, sem):
    b = lax.axis_index("s") * _NC + lax.axis_index("c")
    pltpu.sync_copy(idx_hbm, idx_v)
    pltpu.async_copy(sites_hbm.at[idx_v], srows, sem).wait()
    pltpu.async_copy(masks_hbm.at[idx_v], mrows, sem).wait()
    sv = jnp.zeros((16,), jnp.float32)
    mv = jnp.zeros((16,), jnp.float32)
    for j in range(_B):
        pred = b == j
        sv = jnp.where(pred, srows[j, pl.ds(0, 16)], sv)
        mv = jnp.where(pred, mrows[j, pl.ds(0, 16)], mv)

    def chunk(c, carry):
        pltpu.sync_copy(x_hbm.at[b, pl.ds(c * _CH, _CH)], xbuf)

        def inner(i, carry2):
            base = i * (16 * _UN)
            for u in range(_UN):
                o = base + u * 16
                obuf[pl.ds(o, 16)] = xbuf[pl.ds(o, 16)] * mv + sv
            return carry2

        lax.fori_loop(0, _CH // (16 * _UN), inner, 0)
        pltpu.sync_copy(obuf, out_hbm.at[b, pl.ds(c * _CH, _CH)])
        return carry

    lax.fori_loop(0, _F // _CH, chunk, 0)


def kernel(inputs, available_injection_sites, masks):
    B, H, W, C = inputs.shape
    n = available_injection_sites.shape[0]
    idx = jax.random.randint(jax.random.key(22), (B,), 0, n).astype(jnp.int32)
    sites16 = jnp.broadcast_to(
        available_injection_sites.reshape(n, 1), (n, 128))
    masks16 = jnp.broadcast_to(masks.reshape(n, 1), (n, 128))
    x = inputs.reshape(B, H * W * C)
    out = _sc_fma(x, idx, sites16, masks16)
    return out.reshape(B, H, W, C)

# --- scband reference (transcript-rebuilt; emitter-appended) ---
"""Pipeline reference for scband-error-simulator-29283087024286 (READ-ONLY COPY).

The authoritative reference and input builder live on the scoring server;
editing this copy changes nothing except your own understanding.
"""

import jax, jax.numpy as jnp
import numpy as np


def setup_inputs(seed: int = 0) -> dict:
    key = jax.random.key(seed)
    k1, = jax.random.split(key, 1)
    inputs = jax.random.normal(k1, (32, 32, 32, 768), dtype=jnp.float32)
    # learned/constructor params per init_kwargs: 4 injection sites and masks,
    # each broadcastable to a single feature map [1,1,1] -> broadcasts over [H,W,C]
    available_injection_sites = jnp.array([2.0, -1.5, 0.7, 3.1], dtype=jnp.float32).reshape(4, 1, 1, 1)
    masks = jnp.array([0.0, 1.0, 0.5, 0.0], dtype=jnp.float32).reshape(4, 1, 1, 1)
    return {
        "inputs": inputs,
        "available_injection_sites": available_injection_sites,
        "masks": masks,
    }


def reference(inputs, available_injection_sites, masks):
    # ErrorSimulator.call with mode=enabled: for every batch element, pick a
    # random injection site index in [0, num_inj_sites) and compute
    #   out[i] = inputs[i] * masks[r_i] + sites[r_i]
    # (the TF version does this in a tf.while_loop with tf.random.uniform(seed=22);
    #  here we draw all per-sample indices from an equivalent seeded PRNG).
    num_inj_sites = available_injection_sites.shape[0]
    B = inputs.shape[0]
    idx = jax.random.randint(jax.random.key(22), (B,), 0, num_inj_sites)
    site = jnp.take(available_injection_sites, idx, axis=0)  # [B,1,1,1]
    mask = jnp.take(masks, idx, axis=0)                      # [B,1,1,1]
    return inputs * mask + site

if __name__ == "__main__":
    import jax
    _d = setup_inputs()
    print(jax.jit(kernel)(*tuple(_d.values())))

</pallas_src>

<mosaic_0001>
#map = affine_map<(d0, d1) -> (0, 0)>
#map1 = affine_map<(d0, d1) -> (0)>
module attributes {stable_mosaic.version = 14 : i64} {
  func.func @_sc_fma(%arg0: i32, %arg1: i32, %arg2: memref<32x786432xf32, #tpu.memory_space<hbm>>, %arg3: memref<32xi32, #tpu.memory_space<hbm>>, %arg4: memref<4x128xf32, #tpu.memory_space<hbm>>, %arg5: memref<4x128xf32, #tpu.memory_space<hbm>>, %arg6: memref<32x786432xf32, #tpu.memory_space<hbm>>, %arg7: memref<32xi32, #tpu.memory_space<vmem>>, %arg8: memref<32x128xf32, #tpu.memory_space<vmem>>, %arg9: memref<32x128xf32, #tpu.memory_space<vmem>>, %arg10: memref<32768xf32, #tpu.memory_space<vmem>>, %arg11: memref<32768xf32, #tpu.memory_space<vmem>>, %arg12: memref<!tpu.dma_semaphore, #tpu.memory_space<semaphore_mem>>) attributes {dimension_semantics = [#tpu.dimension_semantics<core_parallel>, #tpu.dimension_semantics<subcore_parallel>], iteration_bounds = array<i64: 2, 16>, scalar_prefetch = 0 : i64, scratch_operands = 6 : i64, tpu.core_type = #tpu.core_type<sc_vector_subcore>, window_params = [{transform_indices = #map}, {transform_indices = #map1}, {transform_indices = #map}, {transform_indices = #map}, {transform_indices = #map}]} {
    %mul3A = arith.constant 2 : i32
    %mul3A_0 = arith.muli %arg1, %mul3A : i32
    %add3A = arith.addi %mul3A_0, %arg0 : i32
    "tpu.region"() ({
      %run_scoped3A = tpu.sem_alloc : memref<!tpu.dma_semaphore, #tpu.memory_space<semaphore_mem>>
      tpu.enqueue_dma source(%arg3 : memref<32xi32, #tpu.memory_space<hbm>>) target(%arg7 : memref<32xi32, #tpu.memory_space<vmem>>) target_semaphore(%run_scoped3A : memref<!tpu.dma_semaphore, #tpu.memory_space<semaphore_mem>>)
      tpu.wait_dma2 semaphore(%run_scoped3A : memref<!tpu.dma_semaphore, #tpu.memory_space<semaphore_mem>>) src(%arg3 : memref<32xi32, #tpu.memory_space<hbm>>) dst(%arg7 : memref<32xi32, #tpu.memory_space<vmem>>)
      tpu.yield
    }) : () -> ()
    %dma_start3A = arith.constant 0 : i32
    %dma_start3A_1 = arith.constant 0 : i32
    %dma_start3A_2 = tpu.memref_slice %arg4[%dma_start3A, %dma_start3A_1] : memref<4x128xf32, #tpu.memory_space<hbm>> -> memref<4x128xf32, #tpu.memory_space<hbm>>
    tpu.enqueue_indirect_dma source(%dma_start3A_2 : memref<4x128xf32, #tpu.memory_space<hbm>>) target(%arg8 : memref<32x128xf32, #tpu.memory_space<vmem>>) offsets(%arg7 : memref<32xi32, #tpu.memory_space<vmem>>) semaphore(%arg12 : memref<!tpu.dma_semaphore, #tpu.memory_space<semaphore_mem>>)
    %dma_wait3A = arith.constant 0 : i32
    %dma_wait3A_3 = arith.constant 0 : i32
    %dma_wait3A_4 = tpu.memref_slice %arg4[%dma_wait3A, %dma_wait3A_3] : memref<4x128xf32, #tpu.memory_space<hbm>> -> memref<4x128xf32, #tpu.memory_space<hbm>>
    tpu.wait_indirect_dma semaphore(%arg12 : memref<!tpu.dma_semaphore, #tpu.memory_space<semaphore_mem>>) src(%dma_wait3A_4 : memref<4x128xf32, #tpu.memory_space<hbm>>) dst(%arg8 : memref<32x128xf32, #tpu.memory_space<vmem>>)
    %dma_start3A_5 = arith.constant 0 : i32
    %dma_start3A_6 = arith.constant 0 : i32
    %dma_start3A_7 = tpu.memref_slice %arg5[%dma_start3A_5, %dma_start3A_6] : memref<4x128xf32, #tpu.memory_space<hbm>> -> memref<4x128xf32, #tpu.memory_space<hbm>>
    tpu.enqueue_indirect_dma source(%dma_start3A_7 : memref<4x128xf32, #tpu.memory_space<hbm>>) target(%arg9 : memref<32x128xf32, #tpu.memory_space<vmem>>) offsets(%arg7 : memref<32xi32, #tpu.memory_space<vmem>>) semaphore(%arg12 : memref<!tpu.dma_semaphore, #tpu.memory_space<semaphore_mem>>)
    %dma_wait3A_8 = arith.constant 0 : i32
    %dma_wait3A_9 = arith.constant 0 : i32
    %dma_wait3A_10 = tpu.memref_slice %arg5[%dma_wait3A_8, %dma_wait3A_9] : memref<4x128xf32, #tpu.memory_space<hbm>> -> memref<4x128xf32, #tpu.memory_space<hbm>>
    tpu.wait_indirect_dma semaphore(%arg12 : memref<!tpu.dma_semaphore, #tpu.memory_space<semaphore_mem>>) src(%dma_wait3A_10 : memref<4x128xf32, #tpu.memory_space<hbm>>) dst(%arg9 : memref<32x128xf32, #tpu.memory_space<vmem>>)
    %broadcast_in_dim3A = arith.constant 0.000000e+00 : f32
    %broadcast_in_dim3A_11 = vector.broadcast %broadcast_in_dim3A : f32 to vector<16xf32>
    %broadcast_in_dim3A_12 = arith.constant 0.000000e+00 : f32
    %broadcast_in_dim3A_13 = vector.broadcast %broadcast_in_dim3A_12 : f32 to vector<16xf32>
    %eq3A = arith.constant 0 : i32
    %eq3A_14 = arith.cmpi eq, %add3A, %eq3A : i32
    %get3A = arith.constant 0 : i32
    %get3A_15 = arith.index_cast %get3A : i32 to index
    %get3A_16 = arith.constant 0 : index
    %get3A_17 = tpu.vector_load %arg8[%get3A_15, %get3A_16] {strides = array<i32>} : memref<32x128xf32, #tpu.memory_space<vmem>>, vector<1x16xf32>,
    %get3A_18 = vector.shape_cast %get3A_17 : vector<1x16xf32> to vector<16xf32>
    %select_n3A = arith.select %eq3A_14, %get3A_18, %broadcast_in_dim3A_11 : vector<16xf32>
    %get3A_19 = arith.constant 0 : i32
    %get3A_20 = arith.index_cast %get3A_19 : i32 to index
    %get3A_21 = arith.constant 0 : index
    %get3A_22 = tpu.vector_load %arg9[%get3A_20, %get3A_21] {strides = array<i32>} : memref<32x128xf32, #tpu.memory_space<vmem>>, vector<1x16xf32>,
    %get3A_23 = vector.shape_cast %get3A_22 : vector<1x16xf32> to vector<16xf32>
    %select_n3A_24 = arith.select %eq3A_14, %get3A_23, %broadcast_in_dim3A_13 : vector<16xf32>
    %eq3A_25 = arith.constant 1 : i32
    %eq3A_26 = arith.cmpi eq, %add3A, %eq3A_25 : i32
    %get3A_27 = arith.constant 1 : i32
    %get3A_28 = arith.index_cast %get3A_27 : i32 to index
    %get3A_29 = arith.constant 0 : index
    %get3A_30 = tpu.vector_load %arg8[%get3A_28, %get3A_29] {strides = array<i32>} : memref<32x128xf32, #tpu.memory_space<vmem>>, vector<1x16xf32>,
    %get3A_31 = vector.shape_cast %get3A_30 : vector<1x16xf32> to vector<16xf32>
    %select_n3A_32 = arith.select %eq3A_26, %get3A_31, %select_n3A : vector<16xf32>
    %get3A_33 = arith.constant 1 : i32
    %get3A_34 = arith.index_cast %get3A_33 : i32 to index
    %get3A_35 = arith.constant 0 : index
    %get3A_36 = tpu.vector_load %arg9[%get3A_34, %get3A_35] {strides = array<i32>} : memref<32x128xf32, #tpu.memory_space<vmem>>, vector<1x16xf32>,
    %get3A_37 = vector.shape_cast %get3A_36 : vector<1x16xf32> to vector<16xf32>
    %select_n3A_38 = arith.select %eq3A_26, %get3A_37, %select_n3A_24 : vector<16xf32>
    %eq3A_39 = arith.constant 2 : i32
    %eq3A_40 = arith.cmpi eq, %add3A, %eq3A_39 : i32
    %get3A_41 = arith.constant 2 : i32
    %get3A_42 = arith.index_cast %get3A_41 : i32 to index
    %get3A_43 = arith.constant 0 : index
    %get3A_44 = tpu.vector_load %arg8[%get3A_42, %get3A_43] {strides = array<i32>} : memref<32x128xf32, #tpu.memory_space<vmem>>, vector<1x16xf32>,
    %get3A_45 = vector.shape_cast %get3A_44 : vector<1x16xf32> to vector<16xf32>
    %select_n3A_46 = arith.select %eq3A_40, %get3A_45, %select_n3A_32 : vector<16xf32>
    %get3A_47 = arith.constant 2 : i32
    %get3A_48 = arith.index_cast %get3A_47 : i32 to index
    %get3A_49 = arith.constant 0 : index
    %get3A_50 = tpu.vector_load %arg9[%get3A_48, %get3A_49] {strides = array<i32>} : memref<32x128xf32, #tpu.memory_space<vmem>>, vector<1x16xf32>,
    %get3A_51 = vector.shape_cast %get3A_50 : vector<1x16xf32> to vector<16xf32>
    %select_n3A_52 = arith.select %eq3A_40, %get3A_51, %select_n3A_38 : vector<16xf32>
    %eq3A_53 = arith.constant 3 : i32
    %eq3A_54 = arith.cmpi eq, %add3A, %eq3A_53 : i32
    %get3A_55 = arith.constant 3 : i32
    %get3A_56 = arith.index_cast %get3A_55 : i32 to index
    %get3A_57 = arith.constant 0 : index
    %get3A_58 = tpu.vector_load %arg8[%get3A_56, %get3A_57] {strides = array<i32>} : memref<32x128xf32, #tpu.memory_space<vmem>>, vector<1x16xf32>,
    %get3A_59 = vector.shape_cast %get3A_58 : vector<1x16xf32> to vector<16xf32>
    %select_n3A_60 = arith.select %eq3A_54, %get3A_59, %select_n3A_46 : vector<16xf32>
    %get3A_61 = arith.constant 3 : i32
    %get3A_62 = arith.index_cast %get3A_61 : i32 to index
    %get3A_63 = arith.constant 0 : index
    %get3A_64 = tpu.vector_load %arg9[%get3A_62, %get3A_63] {strides = array<i32>} : memref<32x128xf32, #tpu.memory_space<vmem>>, vector<1x16xf32>,
    %get3A_65 = vector.shape_cast %get3A_64 : vector<1x16xf32> to vector<16xf32>
    %select_n3A_66 = arith.select %eq3A_54, %get3A_65, %select_n3A_52 : vector<16xf32>
    %eq3A_67 = arith.constant 4 : i32
    %eq3A_68 = arith.cmpi eq, %add3A, %eq3A_67 : i32
    %get3A_69 = arith.constant 4 : i32
    %get3A_70 = arith.index_cast %get3A_69 : i32 to index
    %get3A_71 = arith.constant 0 : index
    %get3A_72 = tpu.vector_load %arg8[%get3A_70, %get3A_71] {strides = array<i32>} : memref<32x128xf32, #tpu.memory_space<vmem>>, vector<1x16xf32>,
    %get3A_73 = vector.shape_cast %get3A_72 : vector<1x16xf32> to vector<16xf32>
    %select_n3A_74 = arith.select %eq3A_68, %get3A_73, %select_n3A_60 : vector<16xf32>
    %get3A_75 = arith.constant 4 : i32
    %get3A_76 = arith.index_cast %get3A_75 : i32 to index
    %get3A_77 = arith.constant 0 : index
    %get3A_78 = tpu.vector_load %arg9[%get3A_76, %get3A_77] {strides = array<i32>} : memref<32x128xf32, #tpu.memory_space<vmem>>, vector<1x16xf32>,
    %get3A_79 = vector.shape_cast %get3A_78 : vector<1x16xf32> to vector<16xf32>
    %select_n3A_80 = arith.select %eq3A_68, %get3A_79, %select_n3A_66 : vector<16xf32>
    %eq3A_81 = arith.constant 5 : i32
    %eq3A_82 = arith.cmpi eq, %add3A, %eq3A_81 : i32
    %get3A_83 = arith.constant 5 : i32
    %get3A_84 = arith.index_cast %get3A_83 : i32 to index
    %get3A_85 = arith.constant 0 : index
    %get3A_86 = tpu.vector_load %arg8[%get3A_84, %get3A_85] {strides = array<i32>} : memref<32x128xf32, #tpu.memory_space<vmem>>, vector<1x16xf32>,
    %get3A_87 = vector.shape_cast %get3A_86 : vector<1x16xf32> to vector<16xf32>
    %select_n3A_88 = arith.select %eq3A_82, %get3A_87, %select_n3A_74 : vector<16xf32>
    %get3A_89 = arith.constant 5 : i32
    %get3A_90 = arith.index_cast %get3A_89 : i32 to index
    %get3A_91 = arith.constant 0 : index
    %get3A_92 = tpu.vector_load %arg9[%get3A_90, %get3A_91] {strides = array<i32>} : memref<32x128xf32, #tpu.memory_space<vmem>>, vector<1x16xf32>,
    %get3A_93 = vector.shape_cast %get3A_92 : vector<1x16xf32> to vector<16xf32>
    %select_n3A_94 = arith.select %eq3A_82, %get3A_93, %select_n3A_80 : vector<16xf32>
    %eq3A_95 = arith.constant 6 : i32
    %eq3A_96 = arith.cmpi eq, %add3A, %eq3A_95 : i32
    %get3A_97 = arith.constant 6 : i32
    %get3A_98 = arith.index_cast %get3A_97 : i32 to index
    %get3A_99 = arith.constant 0 : index
    %get3A_100 = tpu.vector_load %arg8[%get3A_98, %get3A_99] {strides = array<i32>} : memref<32x128xf32, #tpu.memory_space<vmem>>, vector<1x16xf32>,
    %get3A_101 = vector.shape_cast %get3A_100 : vector<1x16xf32> to vector<16xf32>
    %select_n3A_102 = arith.select %eq3A_96, %get3A_101, %select_n3A_88 : vector<16xf32>
    %get3A_103 = arith.constant 6 : i32
    %get3A_104 = arith.index_cast %get3A_103 : i32 to index
    %get3A_105 = arith.constant 0 : index
    %get3A_106 = tpu.vector_load %arg9[%get3A_104, %get3A_105] {strides = array<i32>} : memref<32x128xf32, #tpu.memory_space<vmem>>, vector<1x16xf32>,
    %get3A_107 = vector.shape_cast %get3A_106 : vector<1x16xf32> to vector<16xf32>
    %select_n3A_108 = arith.select %eq3A_96, %get3A_107, %select_n3A_94 : vector<16xf32>
    %eq3A_109 = arith.constant 7 : i32
    %eq3A_110 = arith.cmpi eq, %add3A, %eq3A_109 : i32
    %get3A_111 = arith.constant 7 : i32
    %get3A_112 = arith.index_cast %get3A_111 : i32 to index
    %get3A_113 = arith.constant 0 : index
    %get3A_114 = tpu.vector_load %arg8[%get3A_112, %get3A_113] {strides = array<i32>} : memref<32x128xf32, #tpu.memory_space<vmem>>, vector<1x16xf32>,
    %get3A_115 = vector.shape_cast %get3A_114 : vector<1x16xf32> to vector<16xf32>
    %select_n3A_116 = arith.select %eq3A_110, %get3A_115, %select_n3A_102 : vector<16xf32>
    %get3A_117 = arith.constant 7 : i32
    %get3A_118 = arith.index_cast %get3A_117 : i32 to index
    %get3A_119 = arith.constant 0 : index
    %get3A_120 = tpu.vector_load %arg9[%get3A_118, %get3A_119] {strides = array<i32>} : memref<32x128xf32, #tpu.memory_space<vmem>>, vector<1x16xf32>,
    %get3A_121 = vector.shape_cast %get3A_120 : vector<1x16xf32> to vector<16xf32>
    %select_n3A_122 = arith.select %eq3A_110, %get3A_121, %select_n3A_108 : vector<16xf32>
    %eq3A_123 = arith.constant 8 : i32
    %eq3A_124 = arith.cmpi eq, %add3A, %eq3A_123 : i32
    %get3A_125 = arith.constant 8 : i32
    %get3A_126 = arith.index_cast %get3A_125 : i32 to index
    %get3A_127 = arith.constant 0 : index
    %get3A_128 = tpu.vector_load %arg8[%get3A_126, %get3A_127] {strides = array<i32>} : memref<32x128xf32, #tpu.memory_space<vmem>>, vector<1x16xf32>,
    %get3A_129 = vector.shape_cast %get3A_128 : vector<1x16xf32> to vector<16xf32>
    %select_n3A_130 = arith.select %eq3A_124, %get3A_129, %select_n3A_116 : vector<16xf32>
    %get3A_131 = arith.constant 8 : i32
    %get3A_132 = arith.index_cast %get3A_131 : i32 to index
    %get3A_133 = arith.constant 0 : index
    %get3A_134 = tpu.vector_load %arg9[%get3A_132, %get3A_133] {strides = array<i32>} : memref<32x128xf32, #tpu.memory_space<vmem>>, vector<1x16xf32>,
    %get3A_135 = vector.shape_cast %get3A_134 : vector<1x16xf32> to vector<16xf32>
    %select_n3A_136 = arith.select %eq3A_124, %get3A_135, %select_n3A_122 : vector<16xf32>
    %eq3A_137 = arith.constant 9 : i32
    %eq3A_138 = arith.cmpi eq, %add3A, %eq3A_137 : i32
    %get3A_139 = arith.constant 9 : i32
    %get3A_140 = arith.index_cast %get3A_139 : i32 to index
    %get3A_141 = arith.constant 0 : index
    %get3A_142 = tpu.vector_load %arg8[%get3A_140, %get3A_141] {strides = array<i32>} : memref<32x128xf32, #tpu.memory_space<vmem>>, vector<1x16xf32>,
    %get3A_143 = vector.shape_cast %get3A_142 : vector<1x16xf32> to vector<16xf32>
    %select_n3A_144 = arith.select %eq3A_138, %get3A_143, %select_n3A_130 : vector<16xf32>
    %get3A_145 = arith.constant 9 : i32
    %get3A_146 = arith.index_cast %get3A_145 : i32 to index
    %get3A_147 = arith.constant 0 : index
    %get3A_148 = tpu.vector_load %arg9[%get3A_146, %get3A_147] {strides = array<i32>} : memref<32x128xf32, #tpu.memory_space<vmem>>, vector<1x16xf32>,
    %get3A_149 = vector.shape_cast %get3A_148 : vector<1x16xf32> to vector<16xf32>
    %select_n3A_150 = arith.select %eq3A_138, %get3A_149, %select_n3A_136 : vector<16xf32>
    %eq3A_151 = arith.constant 10 : i32
    %eq3A_152 = arith.cmpi eq, %add3A, %eq3A_151 : i32
    %get3A_153 = arith.constant 10 : i32
    %get3A_154 = arith.index_cast %get3A_153 : i32 to index
    %get3A_155 = arith.constant 0 : index
    %get3A_156 = tpu.vector_load %arg8[%get3A_154, %get3A_155] {strides = array<i32>} : memref<32x128xf32, #tpu.memory_space<vmem>>, vector<1x16xf32>,
    %get3A_157 = vector.shape_cast %get3A_156 : vector<1x16xf32> to vector<16xf32>
    %select_n3A_158 = arith.select %eq3A_152, %get3A_157, %select_n3A_144 : vector<16xf32>
    %get3A_159 = arith.constant 10 : i32
    %get3A_160 = arith.index_cast %get3A_159 : i32 to index
    %get3A_161 = arith.constant 0 : index
    %get3A_162 = tpu.vector_load %arg9[%get3A_160, %get3A_161] {strides = array<i32>} : memref<32x128xf32, #tpu.memory_space<vmem>>, vector<1x16xf32>,
    %get3A_163 = vector.shape_cast %get3A_162 : vector<1x16xf32> to vector<16xf32>
    %select_n3A_164 = arith.select %eq3A_152, %get3A_163, %select_n3A_150 : vector<16xf32>
    %eq3A_165 = arith.constant 11 : i32
    %eq3A_166 = arith.cmpi eq, %add3A, %eq3A_165 : i32
    %get3A_167 = arith.constant 11 : i32
    %get3A_168 = arith.index_cast %get3A_167 : i32 to index
    %get3A_169 = arith.constant 0 : index
    %get3A_170 = tpu.vector_load %arg8[%get3A_168, %get3A_169] {strides = array<i32>} : memref<32x128xf32, #tpu.memory_space<vmem>>, vector<1x16xf32>,
    %get3A_171 = vector.shape_cast %get3A_170 : vector<1x16xf32> to vector<16xf32>
    %select_n3A_172 = arith.select %eq3A_166, %get3A_171, %select_n3A_158 : vector<16xf32>
    %get3A_173 = arith.constant 11 : i32
    %get3A_174 = arith.index_cast %get3A_173 : i32 to index
    %get3A_175 = arith.constant 0 : index
    %get3A_176 = tpu.vector_load %arg9[%get3A_174, %get3A_175] {strides = array<i32>} : memref<32x128xf32, #tpu.memory_space<vmem>>, vector<1x16xf32>,
    %get3A_177 = vector.shape_cast %get3A_176 : vector<1x16xf32> to vector<16xf32>
    %select_n3A_178 = arith.select %eq3A_166, %get3A_177, %select_n3A_164 : vector<16xf32>
    %eq3A_179 = arith.constant 12 : i32
    %eq3A_180 = arith.cmpi eq, %add3A, %eq3A_179 : i32
    %get3A_181 = arith.constant 12 : i32
    %get3A_182 = arith.index_cast %get3A_181 : i32 to index
    %get3A_183 = arith.constant 0 : index
    %get3A_184 = tpu.vector_load %arg8[%get3A_182, %get3A_183] {strides = array<i32>} : memref<32x128xf32, #tpu.memory_space<vmem>>, vector<1x16xf32>,
    %get3A_185 = vector.shape_cast %get3A_184 : vector<1x16xf32> to vector<16xf32>
    %select_n3A_186 = arith.select %eq3A_180, %get3A_185, %select_n3A_172 : vector<16xf32>
    %get3A_187 = arith.constant 12 : i32
    %get3A_188 = arith.index_cast %get3A_187 : i32 to index
    %get3A_189 = arith.constant 0 : index
    %get3A_190 = tpu.vector_load %arg9[%get3A_188, %get3A_189] {strides = array<i32>} : memref<32x128xf32, #tpu.memory_space<vmem>>, vector<1x16xf32>,
    %get3A_191 = vector.shape_cast %get3A_190 : vector<1x16xf32> to vector<16xf32>
    %select_n3A_192 = arith.select %eq3A_180, %get3A_191, %select_n3A_178 : vector<16xf32>
    %eq3A_193 = arith.constant 13 : i32
    %eq3A_194 = arith.cmpi eq, %add3A, %eq3A_193 : i32
    %get3A_195 = arith.constant 13 : i32
    %get3A_196 = arith.index_cast %get3A_195 : i32 to index
    %get3A_197 = arith.constant 0 : index
    %get3A_198 = tpu.vector_load %arg8[%get3A_196, %get3A_197] {strides = array<i32>} : memref<32x128xf32, #tpu.memory_space<vmem>>, vector<1x16xf32>,
    %get3A_199 = vector.shape_cast %get3A_198 : vector<1x16xf32> to vector<16xf32>
    %select_n3A_200 = arith.select %eq3A_194, %get3A_199, %select_n3A_186 : vector<16xf32>
    %get3A_201 = arith.constant 13 : i32
    %get3A_202 = arith.index_cast %get3A_201 : i32 to index
    %get3A_203 = arith.constant 0 : index
    %get3A_204 = tpu.vector_load %arg9[%get3A_202, %get3A_203] {strides = array<i32>} : memref<32x128xf32, #tpu.memory_space<vmem>>, vector<1x16xf32>,
    %get3A_205 = vector.shape_cast %get3A_204 : vector<1x16xf32> to vector<16xf32>
    %select_n3A_206 = arith.select %eq3A_194, %get3A_205, %select_n3A_192 : vector<16xf32>
    %eq3A_207 = arith.constant 14 : i32
    %eq3A_208 = arith.cmpi eq, %add3A, %eq3A_207 : i32
    %get3A_209 = arith.constant 14 : i32
    %get3A_210 = arith.index_cast %get3A_209 : i32 to index
    %get3A_211 = arith.constant 0 : index
    %get3A_212 = tpu.vector_load %arg8[%get3A_210, %get3A_211] {strides = array<i32>} : memref<32x128xf32, #tpu.memory_space<vmem>>, vector<1x16xf32>,
    %get3A_213 = vector.shape_cast %get3A_212 : vector<1x16xf32> to vector<16xf32>
    %select_n3A_214 = arith.select %eq3A_208, %get3A_213, %select_n3A_200 : vector<16xf32>
    %get3A_215 = arith.constant 14 : i32
    %get3A_216 = arith.index_cast %get3A_215 : i32 to index
    %get3A_217 = arith.constant 0 : index
    %get3A_218 = tpu.vector_load %arg9[%get3A_216, %get3A_217] {strides = array<i32>} : memref<32x128xf32, #tpu.memory_space<vmem>>, vector<1x16xf32>,
    %get3A_219 = vector.shape_cast %get3A_218 : vector<1x16xf32> to vector<16xf32>
    %select_n3A_220 = arith.select %eq3A_208, %get3A_219, %select_n3A_206 : vector<16xf32>
    %eq3A_221 = arith.constant 15 : i32
    %eq3A_222 = arith.cmpi eq, %add3A, %eq3A_221 : i32
    %get3A_223 = arith.constant 15 : i32
    %get3A_224 = arith.index_cast %get3A_223 : i32 to index
    %get3A_225 = arith.constant 0 : index
    %get3A_226 = tpu.vector_load %arg8[%get3A_224, %get3A_225] {strides = array<i32>} : memref<32x128xf32, #tpu.memory_space<vmem>>, vector<1x16xf32>,
    %get3A_227 = vector.shape_cast %get3A_226 : vector<1x16xf32> to vector<16xf32>
    %select_n3A_228 = arith.select %eq3A_222, %get3A_227, %select_n3A_214 : vector<16xf32>
    %get3A_229 = arith.constant 15 : i32
    %get3A_230 = arith.index_cast %get3A_229 : i32 to index
    %get3A_231 = arith.constant 0 : index
    %get3A_232 = tpu.vector_load %arg9[%get3A_230, %get3A_231] {strides = array<i32>} : memref<32x128xf32, #tpu.memory_space<vmem>>, vector<1x16xf32>,
    %get3A_233 = vector.shape_cast %get3A_232 : vector<1x16xf32> to vector<16xf32>
    %select_n3A_234 = arith.select %eq3A_222, %get3A_233, %select_n3A_220 : vector<16xf32>
    %eq3A_235 = arith.constant 16 : i32
    %eq3A_236 = arith.cmpi eq, %add3A, %eq3A_235 : i32
    %get3A_237 = arith.constant 16 : i32
    %get3A_238 = arith.index_cast %get3A_237 : i32 to index
    %get3A_239 = arith.constant 0 : index
    %get3A_240 = tpu.vector_load %arg8[%get3A_238, %get3A_239] {strides = array<i32>} : memref<32x128xf32, #tpu.memory_space<vmem>>, vector<1x16xf32>,
    %get3A_241 = vector.shape_cast %get3A_240 : vector<1x16xf32> to vector<16xf32>
    %select_n3A_242 = arith.select %eq3A_236, %get3A_241, %select_n3A_228 : vector<16xf32>
    %get3A_243 = arith.constant 16 : i32
    %get3A_244 = arith.index_cast %get3A_243 : i32 to index
    %get3A_245 = arith.constant 0 : index
    %get3A_246 = tpu.vector_load %arg9[%get3A_244, %get3A_245] {strides = array<i32>} : memref<32x128xf32, #tpu.memory_space<vmem>>, vector<1x16xf32>,
    %get3A_247 = vector.shape_cast %get3A_246 : vector<1x16xf32> to vector<16xf32>
    %select_n3A_248 = arith.select %eq3A_236, %get3A_247, %select_n3A_234 : vector<16xf32>
    %eq3A_249 = arith.constant 17 : i32
    %eq3A_250 = arith.cmpi eq, %add3A, %eq3A_249 : i32
    %get3A_251 = arith.constant 17 : i32
    %get3A_252 = arith.index_cast %get3A_251 : i32 to index
    %get3A_253 = arith.constant 0 : index
    %get3A_254 = tpu.vector_load %arg8[%get3A_252, %get3A_253] {strides = array<i32>} : memref<32x128xf32, #tpu.memory_space<vmem>>, vector<1x16xf32>,
    %get3A_255 = vector.shape_cast %get3A_254 : vector<1x16xf32> to vector<16xf32>
    %select_n3A_256 = arith.select %eq3A_250, %get3A_255, %select_n3A_242 : vector<16xf32>
    %get3A_257 = arith.constant 17 : i32
    %get3A_258 = arith.index_cast %get3A_257 : i32 to index
    %get3A_259 = arith.constant 0 : index
    %get3A_260 = tpu.vector_load %arg9[%get3A_258, %get3A_259] {strides = array<i32>} : memref<32x128xf32, #tpu.memory_space<vmem>>, vector<1x16xf32>,
    %get3A_261 = vector.shape_cast %get3A_260 : vector<1x16xf32> to vector<16xf32>
    %select_n3A_262 = arith.select %eq3A_250, %get3A_261, %select_n3A_248 : vector<16xf32>
    %eq3A_263 = arith.constant 18 : i32
    %eq3A_264 = arith.cmpi eq, %add3A, %eq3A_263 : i32
    %get3A_265 = arith.constant 18 : i32
    %get3A_266 = arith.index_cast %get3A_265 : i32 to index
    %get3A_267 = arith.constant 0 : index
    %get3A_268 = tpu.vector_load %arg8[%get3A_266, %get3A_267] {strides = array<i32>} : memref<32x128xf32, #tpu.memory_space<vmem>>, vector<1x16xf32>,
    %get3A_269 = vector.shape_cast %get3A_268 : vector<1x16xf32> to vector<16xf32>
    %select_n3A_270 = arith.select %eq3A_264, %get3A_269, %select_n3A_256 : vector<16xf32>
    %get3A_271 = arith.constant 18 : i32
    %get3A_272 = arith.index_cast %get3A_271 : i32 to index
    %get3A_273 = arith.constant 0 : index
    %get3A_274 = tpu.vector_load %arg9[%get3A_272, %get3A_273] {strides = array<i32>} : memref<32x128xf32, #tpu.memory_space<vmem>>, vector<1x16xf32>,
    %get3A_275 = vector.shape_cast %get3A_274 : vector<1x16xf32> to vector<16xf32>
    %select_n3A_276 = arith.select %eq3A_264, %get3A_275, %select_n3A_262 : vector<16xf32>
    %eq3A_277 = arith.constant 19 : i32
    %eq3A_278 = arith.cmpi eq, %add3A, %eq3A_277 : i32
    %get3A_279 = arith.constant 19 : i32
    %get3A_280 = arith.index_cast %get3A_279 : i32 to index
    %get3A_281 = arith.constant 0 : index
    %get3A_282 = tpu.vector_load %arg8[%get3A_280, %get3A_281] {strides = array<i32>} : memref<32x128xf32, #tpu.memory_space<vmem>>, vector<1x16xf32>,
    %get3A_283 = vector.shape_cast %get3A_282 : vector<1x16xf32> to vector<16xf32>
    %select_n3A_284 = arith.select %eq3A_278, %get3A_283, %select_n3A_270 : vector<16xf32>
    %get3A_285 = arith.constant 19 : i32
    %get3A_286 = arith.index_cast %get3A_285 : i32 to index
    %get3A_287 = arith.constant 0 : index
    %get3A_288 = tpu.vector_load %arg9[%get3A_286, %get3A_287] {strides = array<i32>} : memref<32x128xf32, #tpu.memory_space<vmem>>, vector<1x16xf32>,
    %get3A_289 = vector.shape_cast %get3A_288 : vector<1x16xf32> to vector<16xf32>
    %select_n3A_290 = arith.select %eq3A_278, %get3A_289, %select_n3A_276 : vector<16xf32>
    %eq3A_291 = arith.constant 20 : i32
    %eq3A_292 = arith.cmpi eq, %add3A, %eq3A_291 : i32
    %get3A_293 = arith.constant 20 : i32
    %get3A_294 = arith.index_cast %get3A_293 : i32 to index
    %get3A_295 = arith.constant 0 : index
    %get3A_296 = tpu.vector_load %arg8[%get3A_294, %get3A_295] {strides = array<i32>} : memref<32x128xf32, #tpu.memory_space<vmem>>, vector<1x16xf32>,
    %get3A_297 = vector.shape_cast %get3A_296 : vector<1x16xf32> to vector<16xf32>
    %select_n3A_298 = arith.select %eq3A_292, %get3A_297, %select_n3A_284 : vector<16xf32>
    %get3A_299 = arith.constant 20 : i32
    %get3A_300 = arith.index_cast %get3A_299 : i32 to index
    %get3A_301 = arith.constant 0 : index
    %get3A_302 = tpu.vector_load %arg9[%get3A_300, %get3A_301] {strides = array<i32>} : memref<32x128xf32, #tpu.memory_space<vmem>>, vector<1x16xf32>,
    %get3A_303 = vector.shape_cast %get3A_302 : vector<1x16xf32> to vector<16xf32>
    %select_n3A_304 = arith.select %eq3A_292, %get3A_303, %select_n3A_290 : vector<16xf32>
    %eq3A_305 = arith.constant 21 : i32
    %eq3A_306 = arith.cmpi eq, %add3A, %eq3A_305 : i32
    %get3A_307 = arith.constant 21 : i32
    %get3A_308 = arith.index_cast %get3A_307 : i32 to index
    %get3A_309 = arith.constant 0 : index
    %get3A_310 = tpu.vector_load %arg8[%get3A_308, %get3A_309] {strides = array<i32>} : memref<32x128xf32, #tpu.memory_space<vmem>>, vector<1x16xf32>,
    %get3A_311 = vector.shape_cast %get3A_310 : vector<1x16xf32> to vector<16xf32>
    %select_n3A_312 = arith.select %eq3A_306, %get3A_311, %select_n3A_298 : vector<16xf32>
    %get3A_313 = arith.constant 21 : i32
    %get3A_314 = arith.index_cast %get3A_313 : i32 to index
    %get3A_315 = arith.constant 0 : index
    %get3A_316 = tpu.vector_load %arg9[%get3A_314, %get3A_315] {strides = array<i32>} : memref<32x128xf32, #tpu.memory_space<vmem>>, vector<1x16xf32>,
    %get3A_317 = vector.shape_cast %get3A_316 : vector<1x16xf32> to vector<16xf32>
    %select_n3A_318 = arith.select %eq3A_306, %get3A_317, %select_n3A_304 : vector<16xf32>
    %eq3A_319 = arith.constant 22 : i32
    %eq3A_320 = arith.cmpi eq, %add3A, %eq3A_319 : i32
    %get3A_321 = arith.constant 22 : i32
    %get3A_322 = arith.index_cast %get3A_321 : i32 to index
    %get3A_323 = arith.constant 0 : index
    %get3A_324 = tpu.vector_load %arg8[%get3A_322, %get3A_323] {strides = array<i32>} : memref<32x128xf32, #tpu.memory_space<vmem>>, vector<1x16xf32>,
    %get3A_325 = vector.shape_cast %get3A_324 : vector<1x16xf32> to vector<16xf32>
    %select_n3A_326 = arith.select %eq3A_320, %get3A_325, %select_n3A_312 : vector<16xf32>
    %get3A_327 = arith.constant 22 : i32
    %get3A_328 = arith.index_cast %get3A_327 : i32 to index
    %get3A_329 = arith.constant 0 : index
    %get3A_330 = tpu.vector_load %arg9[%get3A_328, %get3A_329] {strides = array<i32>} : memref<32x128xf32, #tpu.memory_space<vmem>>, vector<1x16xf32>,
    %get3A_331 = vector.shape_cast %get3A_330 : vector<1x16xf32> to vector<16xf32>
    %select_n3A_332 = arith.select %eq3A_320, %get3A_331, %select_n3A_318 : vector<16xf32>
    %eq3A_333 = arith.constant 23 : i32
    %eq3A_334 = arith.cmpi eq, %add3A, %eq3A_333 : i32
    %get3A_335 = arith.constant 23 : i32
    %get3A_336 = arith.index_cast %get3A_335 : i32 to index
    %get3A_337 = arith.constant 0 : index
    %get3A_338 = tpu.vector_load %arg8[%get3A_336, %get3A_337] {strides = array<i32>} : memref<32x128xf32, #tpu.memory_space<vmem>>, vector<1x16xf32>,
    %get3A_339 = vector.shape_cast %get3A_338 : vector<1x16xf32> to vector<16xf32>
    %select_n3A_340 = arith.select %eq3A_334, %get3A_339, %select_n3A_326 : vector<16xf32>
    %get3A_341 = arith.constant 23 : i32
    %get3A_342 = arith.index_cast %get3A_341 : i32 to index
    %get3A_343 = arith.constant 0 : index
    %get3A_344 = tpu.vector_load %arg9[%get3A_342, %get3A_343] {strides = array<i32>} : memref<32x128xf32, #tpu.memory_space<vmem>>, vector<1x16xf32>,
    %get3A_345 = vector.shape_cast %get3A_344 : vector<1x16xf32> to vector<16xf32>
    %select_n3A_346 = arith.select %eq3A_334, %get3A_345, %select_n3A_332 : vector<16xf32>
    %eq3A_347 = arith.constant 24 : i32
    %eq3A_348 = arith.cmpi eq, %add3A, %eq3A_347 : i32
    %get3A_349 = arith.constant 24 : i32
    %get3A_350 = arith.index_cast %get3A_349 : i32 to index
    %get3A_351 = arith.constant 0 : index
    %get3A_352 = tpu.vector_load %arg8[%get3A_350, %get3A_351] {strides = array<i32>} : memref<32x128xf32, #tpu.memory_space<vmem>>, vector<1x16xf32>,
    %get3A_353 = vector.shape_cast %get3A_352 : vector<1x16xf32> to vector<16xf32>
    %select_n3A_354 = arith.select %eq3A_348, %get3A_353, %select_n3A_340 : vector<16xf32>
    %get3A_355 = arith.constant 24 : i32
    %get3A_356 = arith.index_cast %get3A_355 : i32 to index
    %get3A_357 = arith.constant 0 : index
    %get3A_358 = tpu.vector_load %arg9[%get3A_356, %get3A_357] {strides = array<i32>} : memref<32x128xf32, #tpu.memory_space<vmem>>, vector<1x16xf32>,
    %get3A_359 = vector.shape_cast %get3A_358 : vector<1x16xf32> to vector<16xf32>
    %select_n3A_360 = arith.select %eq3A_348, %get3A_359, %select_n3A_346 : vector<16xf32>
    %eq3A_361 = arith.constant 25 : i32
    %eq3A_362 = arith.cmpi eq, %add3A, %eq3A_361 : i32
    %get3A_363 = arith.constant 25 : i32
    %get3A_364 = arith.index_cast %get3A_363 : i32 to index
    %get3A_365 = arith.constant 0 : index
    %get3A_366 = tpu.vector_load %arg8[%get3A_364, %get3A_365] {strides = array<i32>} : memref<32x128xf32, #tpu.memory_space<vmem>>, vector<1x16xf32>,
    %get3A_367 = vector.shape_cast %get3A_366 : vector<1x16xf32> to vector<16xf32>
    %select_n3A_368 = arith.select %eq3A_362, %get3A_367, %select_n3A_354 : vector<16xf32>
    %get3A_369 = arith.constant 25 : i32
    %get3A_370 = arith.index_cast %get3A_369 : i32 to index
    %get3A_371 = arith.constant 0 : index
    %get3A_372 = tpu.vector_load %arg9[%get3A_370, %get3A_371] {strides = array<i32>} : memref<32x128xf32, #tpu.memory_space<vmem>>, vector<1x16xf32>,
    %get3A_373 = vector.shape_cast %get3A_372 : vector<1x16xf32> to vector<16xf32>
    %select_n3A_374 = arith.select %eq3A_362, %get3A_373, %select_n3A_360 : vector<16xf32>
    %eq3A_375 = arith.constant 26 : i32
    %eq3A_376 = arith.cmpi eq, %add3A, %eq3A_375 : i32
    %get3A_377 = arith.constant 26 : i32
    %get3A_378 = arith.index_cast %get3A_377 : i32 to index
    %get3A_379 = arith.constant 0 : index
    %get3A_380 = tpu.vector_load %arg8[%get3A_378, %get3A_379] {strides = array<i32>} : memref<32x128xf32, #tpu.memory_space<vmem>>, vector<1x16xf32>,
    %get3A_381 = vector.shape_cast %get3A_380 : vector<1x16xf32> to vector<16xf32>
    %select_n3A_382 = arith.select %eq3A_376, %get3A_381, %select_n3A_368 : vector<16xf32>
    %get3A_383 = arith.constant 26 : i32
    %get3A_384 = arith.index_cast %get3A_383 : i32 to index
    %get3A_385 = arith.constant 0 : index
    %get3A_386 = tpu.vector_load %arg9[%get3A_384, %get3A_385] {strides = array<i32>} : memref<32x128xf32, #tpu.memory_space<vmem>>, vector<1x16xf32>,
    %get3A_387 = vector.shape_cast %get3A_386 : vector<1x16xf32> to vector<16xf32>
    %select_n3A_388 = arith.select %eq3A_376, %get3A_387, %select_n3A_374 : vector<16xf32>
    %eq3A_389 = arith.constant 27 : i32
    %eq3A_390 = arith.cmpi eq, %add3A, %eq3A_389 : i32
    %get3A_391 = arith.constant 27 : i32
    %get3A_392 = arith.index_cast %get3A_391 : i32 to index
    %get3A_393 = arith.constant 0 : index
    %get3A_394 = tpu.vector_load %arg8[%get3A_392, %get3A_393] {strides = array<i32>} : memref<32x128xf32, #tpu.memory_space<vmem>>, vector<1x16xf32>,
    %get3A_395 = vector.shape_cast %get3A_394 : vector<1x16xf32> to vector<16xf32>
    %select_n3A_396 = arith.select %eq3A_390, %get3A_395, %select_n3A_382 : vector<16xf32>
    %get3A_397 = arith.constant 27 : i32
    %get3A_398 = arith.index_cast %get3A_397 : i32 to index
    %get3A_399 = arith.constant 0 : index
    %get3A_400 = tpu.vector_load %arg9[%get3A_398, %get3A_399] {strides = array<i32>} : memref<32x128xf32, #tpu.memory_space<vmem>>, vector<1x16xf32>,
    %get3A_401 = vector.shape_cast %get3A_400 : vector<1x16xf32> to vector<16xf32>
    %select_n3A_402 = arith.select %eq3A_390, %get3A_401, %select_n3A_388 : vector<16xf32>
    %eq3A_403 = arith.constant 28 : i32
    %eq3A_404 = arith.cmpi eq, %add3A, %eq3A_403 : i32
    %get3A_405 = arith.constant 28 : i32
    %get3A_406 = arith.index_cast %get3A_405 : i32 to index
    %get3A_407 = arith.constant 0 : index
    %get3A_408 = tpu.vector_load %arg8[%get3A_406, %get3A_407] {strides = array<i32>} : memref<32x128xf32, #tpu.memory_space<vmem>>, vector<1x16xf32>,
    %get3A_409 = vector.shape_cast %get3A_408 : vector<1x16xf32> to vector<16xf32>
    %select_n3A_410 = arith.select %eq3A_404, %get3A_409, %select_n3A_396 : vector<16xf32>
    %get3A_411 = arith.constant 28 : i32
    %get3A_412 = arith.index_cast %get3A_411 : i32 to index
    %get3A_413 = arith.constant 0 : index
    %get3A_414 = tpu.vector_load %arg9[%get3A_412, %get3A_413] {strides = array<i32>} : memref<32x128xf32, #tpu.memory_space<vmem>>, vector<1x16xf32>,
    %get3A_415 = vector.shape_cast %get3A_414 : vector<1x16xf32> to vector<16xf32>
    %select_n3A_416 = arith.select %eq3A_404, %get3A_415, %select_n3A_402 : vector<16xf32>
    %eq3A_417 = arith.constant 29 : i32
    %eq3A_418 = arith.cmpi eq, %add3A, %eq3A_417 : i32
    %get3A_419 = arith.constant 29 : i32
    %get3A_420 = arith.index_cast %get3A_419 : i32 to index
    %get3A_421 = arith.constant 0 : index
    %get3A_422 = tpu.vector_load %arg8[%get3A_420, %get3A_421] {strides = array<i32>} : memref<32x128xf32, #tpu.memory_space<vmem>>, vector<1x16xf32>,
    %get3A_423 = vector.shape_cast %get3A_422 : vector<1x16xf32> to vector<16xf32>
    %select_n3A_424 = arith.select %eq3A_418, %get3A_423, %select_n3A_410 : vector<16xf32>
    %get3A_425 = arith.constant 29 : i32
    %get3A_426 = arith.index_cast %get3A_425 : i32 to index
    %get3A_427 = arith.constant 0 : index
    %get3A_428 = tpu.vector_load %arg9[%get3A_426, %get3A_427] {strides = array<i32>} : memref<32x128xf32, #tpu.memory_space<vmem>>, vector<1x16xf32>,
    %get3A_429 = vector.shape_cast %get3A_428 : vector<1x16xf32> to vector<16xf32>
    %select_n3A_430 = arith.select %eq3A_418, %get3A_429, %select_n3A_416 : vector<16xf32>
    %eq3A_431 = arith.constant 30 : i32
    %eq3A_432 = arith.cmpi eq, %add3A, %eq3A_431 : i32
    %get3A_433 = arith.constant 30 : i32
    %get3A_434 = arith.index_cast %get3A_433 : i32 to index
    %get3A_435 = arith.constant 0 : index
    %get3A_436 = tpu.vector_load %arg8[%get3A_434, %get3A_435] {strides = array<i32>} : memref<32x128xf32, #tpu.memory_space<vmem>>, vector<1x16xf32>,
    %get3A_437 = vector.shape_cast %get3A_436 : vector<1x16xf32> to vector<16xf32>
    %select_n3A_438 = arith.select %eq3A_432, %get3A_437, %select_n3A_424 : vector<16xf32>
    %get3A_439 = arith.constant 30 : i32
    %get3A_440 = arith.index_cast %get3A_439 : i32 to index
    %get3A_441 = arith.constant 0 : index
    %get3A_442 = tpu.vector_load %arg9[%get3A_440, %get3A_441] {strides = array<i32>} : memref<32x128xf32, #tpu.memory_space<vmem>>, vector<1x16xf32>,
    %get3A_443 = vector.shape_cast %get3A_442 : vector<1x16xf32> to vector<16xf32>
    %select_n3A_444 = arith.select %eq3A_432, %get3A_443, %select_n3A_430 : vector<16xf32>
    %eq3A_445 = arith.constant 31 : i32
    %eq3A_446 = arith.cmpi eq, %add3A, %eq3A_445 : i32
    %get3A_447 = arith.constant 31 : i32
    %get3A_448 = arith.index_cast %get3A_447 : i32 to index
    %get3A_449 = arith.constant 0 : index
    %get3A_450 = tpu.vector_load %arg8[%get3A_448, %get3A_449] {strides = array<i32>} : memref<32x128xf32, #tpu.memory_space<vmem>>, vector<1x16xf32>,
    %get3A_451 = vector.shape_cast %get3A_450 : vector<1x16xf32> to vector<16xf32>
    %select_n3A_452 = arith.select %eq3A_446, %get3A_451, %select_n3A_438 : vector<16xf32>
    %get3A_453 = arith.constant 31 : i32
    %get3A_454 = arith.index_cast %get3A_453 : i32 to index
    %get3A_455 = arith.constant 0 : index
    %get3A_456 = tpu.vector_load %arg9[%get3A_454, %get3A_455] {strides = array<i32>} : memref<32x128xf32, #tpu.memory_space<vmem>>, vector<1x16xf32>,
    %get3A_457 = vector.shape_cast %get3A_456 : vector<1x16xf32> to vector<16xf32>
    %select_n3A_458 = arith.select %eq3A_446, %get3A_457, %select_n3A_444 : vector<16xf32>
    %scan3A = arith.constant 0 : i32
    %scan3A_459 = arith.constant 0 : i32
    %scan3A_460 = arith.constant 24 : i32
    %scan3A_461 = arith.addi %scan3A_459, %scan3A_460 : i32
    %scan3A_462 = arith.constant 1 : i32
    scf.for %scan3A_464 = %scan3A_459 to %scan3A_461 step %scan3A_462  : i32 {
      %mul3A_465 = arith.constant 32768 : i32
      %mul3A_466 = arith.muli %scan3A_464, %mul3A_465 : i32
      "tpu.region"() ({
        %run_scoped3A = tpu.sem_alloc : memref<!tpu.dma_semaphore, #tpu.memory_space<semaphore_mem>>
        %dma_start3A_475 = tpu.memref_slice %arg2[%add3A, %mul3A_466] : memref<32x786432xf32, #tpu.memory_space<hbm>> -> memref<1x32768xf32, #tpu.memory_space<hbm>>
        %dma_start3A_476 = tpu.memref_squeeze %dma_start3A_475 : memref<1x32768xf32, #tpu.memory_space<hbm>> -> memref<32768xf32, #tpu.memory_space<hbm>>
        %dma_start3A_477 = tpu.memref_slice %arg2[%add3A, %mul3A_466] : memref<32x786432xf32, #tpu.memory_space<hbm>> -> memref<1x32768xf32, #tpu.memory_space<hbm>>
        %dma_start3A_478 = tpu.memref_squeeze %dma_start3A_477 : memref<1x32768xf32, #tpu.memory_space<hbm>> -> memref<32768xf32, #tpu.memory_space<hbm>>
        tpu.enqueue_dma source(%dma_start3A_478 : memref<32768xf32, #tpu.memory_space<hbm>>) target(%arg10 : memref<32768xf32, #tpu.memory_space<vmem>>) target_semaphore(%run_scoped3A : memref<!tpu.dma_semaphore, #tpu.memory_space<semaphore_mem>>)
        %dma_wait3A_479 = tpu.memref_slice %arg2[%add3A, %mul3A_466] : memref<32x786432xf32, #tpu.memory_space<hbm>> -> memref<1x32768xf32, #tpu.memory_space<hbm>>
        %dma_wait3A_480 = tpu.memref_squeeze %dma_wait3A_479 : memref<1x32768xf32, #tpu.memory_space<hbm>> -> memref<32768xf32, #tpu.memory_space<hbm>>
        %dma_wait3A_481 = tpu.memref_slice %arg2[%add3A, %mul3A_466] : memref<32x786432xf32, #tpu.memory_space<hbm>> -> memref<1x32768xf32, #tpu.memory_space<hbm>>
        %dma_wait3A_482 = tpu.memref_squeeze %dma_wait3A_481 : memref<1x32768xf32, #tpu.memory_space<hbm>> -> memref<32768xf32, #tpu.memory_space<hbm>>
        tpu.wait_dma2 semaphore(%run_scoped3A : memref<!tpu.dma_semaphore, #tpu.memory_space<semaphore_mem>>) src(%dma_wait3A_482 : memref<32768xf32, #tpu.memory_space<hbm>>) dst(%arg10 : memref<32768xf32, #tpu.memory_space<vmem>>)
        tpu.yield
      }) : () -> ()
      %scan3A_467 = arith.constant 0 : i32
      %scan3A_468 = arith.constant 0 : i32
      %scan3A_469 = arith.constant 128 : i32
      %scan3A_470 = arith.addi %scan3A_468, %scan3A_469 : i32
      %scan3A_471 = arith.constant 1 : i32
      scf.for %scan3A_475 = %scan3A_468 to %scan3A_470 step %scan3A_471  : i32 {
        %mul3A_476 = arith.constant 256 : i32
        %mul3A_477 = arith.muli %scan3A_475, %mul3A_476 : i32
        %add3A_478 = arith.constant 0 : i32
        %add3A_479 = arith.addi %mul3A_477, %add3A_478 : i32
        %get3A_480 = arith.index_cast %add3A_479 : i32 to index
        %get3A_481 = tpu.vector_load %arg10[%get3A_480] {strides = array<i32>} : memref<32768xf32, #tpu.memory_space<vmem>>, vector<16xf32>,
        %get3A_482 = vector.shape_cast %get3A_481 : vector<16xf32> to vector<16xf32>
        %mul3A_483 = arith.mulf %get3A_482, %select_n3A_458 : vector<16xf32>
        %add3A_484 = arith.addf %mul3A_483, %select_n3A_452 : vector<16xf32>
        %swap3A = arith.index_cast %add3A_479 : i32 to index
        %swap3A_485 = tpu.vector_load %arg11[%swap3A] {strides = array<i32>} : memref<32768xf32, #tpu.memory_space<vmem>>, vector<16xf32>,
        %swap3A_486 = vector.shape_cast %swap3A_485 : vector<16xf32> to vector<16xf32>
        %swap3A_487 = vector.shape_cast %add3A_484 : vector<16xf32> to vector<16xf32>
        tpu.vector_store %arg11[%swap3A], %swap3A_487 {strides = array<i32>} : memref<32768xf32, #tpu.memory_space<vmem>>, vector<16xf32>,
        %add3A_488 = arith.constant 16 : i32
        %add3A_489 = arith.addi %mul3A_477, %add3A_488 : i32
        %get3A_490 = arith.index_cast %add3A_489 : i32 to index
        %get3A_491 = tpu.vector_load %arg10[%get3A_490] {strides = array<i32>} : memref<32768xf32, #tpu.memory_space<vmem>>, vector<16xf32>,
        %get3A_492 = vector.shape_cast %get3A_491 : vector<16xf32> to vector<16xf32>
        %mul3A_493 = arith.mulf %get3A_492, %select_n3A_458 : vector<16xf32>
        %add3A_494 = arith.addf %mul3A_493, %select_n3A_452 : vector<16xf32>
        %swap3A_495 = arith.index_cast %add3A_489 : i32 to index
        %swap3A_496 = tpu.vector_load %arg11[%swap3A_495] {strides = array<i32>} : memref<32768xf32, #tpu.memory_space<vmem>>, vector<16xf32>,
        %swap3A_497 = vector.shape_cast %swap3A_496 : vector<16xf32> to vector<16xf32>
        %swap3A_498 = vector.shape_cast %add3A_494 : vector<16xf32> to vector<16xf32>
        tpu.vector_store %arg11[%swap3A_495], %swap3A_498 {strides = array<i32>} : memref<32768xf32, #tpu.memory_space<vmem>>, vector<16xf32>,
        %add3A_499 = arith.constant 32 : i32
        %add3A_500 = arith.addi %mul3A_477, %add3A_499 : i32
        %get3A_501 = arith.index_cast %add3A_500 : i32 to index
        %get3A_502 = tpu.vector_load %arg10[%get3A_501] {strides = array<i32>} : memref<32768xf32, #tpu.memory_space<vmem>>, vector<16xf32>,
        %get3A_503 = vector.shape_cast %get3A_502 : vector<16xf32> to vector<16xf32>
        %mul3A_504 = arith.mulf %get3A_503, %select_n3A_458 : vector<16xf32>
        %add3A_505 = arith.addf %mul3A_504, %select_n3A_452 : vector<16xf32>
        %swap3A_506 = arith.index_cast %add3A_500 : i32 to index
        %swap3A_507 = tpu.vector_load %arg11[%swap3A_506] {strides = array<i32>} : memref<32768xf32, #tpu.memory_space<vmem>>, vector<16xf32>,
        %swap3A_508 = vector.shape_cast %swap3A_507 : vector<16xf32> to vector<16xf32>
        %swap3A_509 = vector.shape_cast %add3A_505 : vector<16xf32> to vector<16xf32>
        tpu.vector_store %arg11[%swap3A_506], %swap3A_509 {strides = array<i32>} : memref<32768xf32, #tpu.memory_space<vmem>>, vector<16xf32>,
        %add3A_510 = arith.constant 48 : i32
        %add3A_511 = arith.addi %mul3A_477, %add3A_510 : i32
        %get3A_512 = arith.index_cast %add3A_511 : i32 to index
        %get3A_513 = tpu.vector_load %arg10[%get3A_512] {strides = array<i32>} : memref<32768xf32, #tpu.memory_space<vmem>>, vector<16xf32>,
        %get3A_514 = vector.shape_cast %get3A_513 : vector<16xf32> to vector<16xf32>
        %mul3A_515 = arith.mulf %get3A_514, %select_n3A_458 : vector<16xf32>
        %add3A_516 = arith.addf %mul3A_515, %select_n3A_452 : vector<16xf32>
        %swap3A_517 = arith.index_cast %add3A_511 : i32 to index
        %swap3A_518 = tpu.vector_load %arg11[%swap3A_517] {strides = array<i32>} : memref<32768xf32, #tpu.memory_space<vmem>>, vector<16xf32>,
        %swap3A_519 = vector.shape_cast %swap3A_518 : vector<16xf32> to vector<16xf32>
        %swap3A_520 = vector.shape_cast %add3A_516 : vector<16xf32> to vector<16xf32>
        tpu.vector_store %arg11[%swap3A_517], %swap3A_520 {strides = array<i32>} : memref<32768xf32, #tpu.memory_space<vmem>>, vector<16xf32>,
        %add3A_521 = arith.constant 64 : i32
        %add3A_522 = arith.addi %mul3A_477, %add3A_521 : i32
        %get3A_523 = arith.index_cast %add3A_522 : i32 to index
        %get3A_524 = tpu.vector_load %arg10[%get3A_523] {strides = array<i32>} : memref<32768xf32, #tpu.memory_space<vmem>>, vector<16xf32>,
        %get3A_525 = vector.shape_cast %get3A_524 : vector<16xf32> to vector<16xf32>
        %mul3A_526 = arith.mulf %get3A_525, %select_n3A_458 : vector<16xf32>
        %add3A_527 = arith.addf %mul3A_526, %select_n3A_452 : vector<16xf32>
        %swap3A_528 = arith.index_cast %add3A_522 : i32 to index
        %swap3A_529 = tpu.vector_load %arg11[%swap3A_528] {strides = array<i32>} : memref<32768xf32, #tpu.memory_space<vmem>>, vector<16xf32>,
        %swap3A_530 = vector.shape_cast %swap3A_529 : vector<16xf32> to vector<16xf32>
        %swap3A_531 = vector.shape_cast %add3A_527 : vector<16xf32> to vector<16xf32>
        tpu.vector_store %arg11[%swap3A_528], %swap3A_531 {strides = array<i32>} : memref<32768xf32, #tpu.memory_space<vmem>>, vector<16xf32>,
        %add3A_532 = arith.constant 80 : i32
        %add3A_533 = arith.addi %mul3A_477, %add3A_532 : i32
        %get3A_534 = arith.index_cast %add3A_533 : i32 to index
        %get3A_535 = tpu.vector_load %arg10[%get3A_534] {strides = array<i32>} : memref<32768xf32, #tpu.memory_space<vmem>>, vector<16xf32>,
        %get3A_536 = vector.shape_cast %get3A_535 : vector<16xf32> to vector<16xf32>
        %mul3A_537 = arith.mulf %get3A_536, %select_n3A_458 : vector<16xf32>
        %add3A_538 = arith.addf %mul3A_537, %select_n3A_452 : vector<16xf32>
        %swap3A_539 = arith.index_cast %add3A_533 : i32 to index
        %swap3A_540 = tpu.vector_load %arg11[%swap3A_539] {strides = array<i32>} : memref<32768xf32, #tpu.memory_space<vmem>>, vector<16xf32>,
        %swap3A_541 = vector.shape_cast %swap3A_540 : vector<16xf32> to vector<16xf32>
        %swap3A_542 = vector.shape_cast %add3A_538 : vector<16xf32> to vector<16xf32>
        tpu.vector_store %arg11[%swap3A_539], %swap3A_542 {strides = array<i32>} : memref<32768xf32, #tpu.memory_space<vmem>>, vector<16xf32>,
        %add3A_543 = arith.constant 96 : i32
        %add3A_544 = arith.addi %mul3A_477, %add3A_543 : i32
        %get3A_545 = arith.index_cast %add3A_544 : i32 to index
        %get3A_546 = tpu.vector_load %arg10[%get3A_545] {strides = array<i32>} : memref<32768xf32, #tpu.memory_space<vmem>>, vector<16xf32>,
        %get3A_547 = vector.shape_cast %get3A_546 : vector<16xf32> to vector<16xf32>
        %mul3A_548 = arith.mulf %get3A_547, %select_n3A_458 : vector<16xf32>
        %add3A_549 = arith.addf %mul3A_548, %select_n3A_452 : vector<16xf32>
        %swap3A_550 = arith.index_cast %add3A_544 : i32 to index
        %swap3A_551 = tpu.vector_load %arg11[%swap3A_550] {strides = array<i32>} : memref<32768xf32, #tpu.memory_space<vmem>>, vector<16xf32>,
        %swap3A_552 = vector.shape_cast %swap3A_551 : vector<16xf32> to vector<16xf32>
        %swap3A_553 = vector.shape_cast %add3A_549 : vector<16xf32> to vector<16xf32>
        tpu.vector_store %arg11[%swap3A_550], %swap3A_553 {strides = array<i32>} : memref<32768xf32, #tpu.memory_space<vmem>>, vector<16xf32>,
        %add3A_554 = arith.constant 112 : i32
        %add3A_555 = arith.addi %mul3A_477, %add3A_554 : i32
        %get3A_556 = arith.index_cast %add3A_555 : i32 to index
        %get3A_557 = tpu.vector_load %arg10[%get3A_556] {strides = array<i32>} : memref<32768xf32, #tpu.memory_space<vmem>>, vector<16xf32>,
        %get3A_558 = vector.shape_cast %get3A_557 : vector<16xf32> to vector<16xf32>
        %mul3A_559 = arith.mulf %get3A_558, %select_n3A_458 : vector<16xf32>
        %add3A_560 = arith.addf %mul3A_559, %select_n3A_452 : vector<16xf32>
        %swap3A_561 = arith.index_cast %add3A_555 : i32 to index
        %swap3A_562 = tpu.vector_load %arg11[%swap3A_561] {strides = array<i32>} : memref<32768xf32, #tpu.memory_space<vmem>>, vector<16xf32>,
        %swap3A_563 = vector.shape_cast %swap3A_562 : vector<16xf32> to vector<16xf32>
        %swap3A_564 = vector.shape_cast %add3A_560 : vector<16xf32> to vector<16xf32>
        tpu.vector_store %arg11[%swap3A_561], %swap3A_564 {strides = array<i32>} : memref<32768xf32, #tpu.memory_space<vmem>>, vector<16xf32>,
        %add3A_565 = arith.constant 128 : i32
        %add3A_566 = arith.addi %mul3A_477, %add3A_565 : i32
        %get3A_567 = arith.index_cast %add3A_566 : i32 to index
        %get3A_568 = tpu.vector_load %arg10[%get3A_567] {strides = array<i32>} : memref<32768xf32, #tpu.memory_space<vmem>>, vector<16xf32>,
        %get3A_569 = vector.shape_cast %get3A_568 : vector<16xf32> to vector<16xf32>
        %mul3A_570 = arith.mulf %get3A_569, %select_n3A_458 : vector<16xf32>
        %add3A_571 = arith.addf %mul3A_570, %select_n3A_452 : vector<16xf32>
        %swap3A_572 = arith.index_cast %add3A_566 : i32 to index
        %swap3A_573 = tpu.vector_load %arg11[%swap3A_572] {strides = array<i32>} : memref<32768xf32, #tpu.memory_space<vmem>>, vector<16xf32>,
        %swap3A_574 = vector.shape_cast %swap3A_573 : vector<16xf32> to vector<16xf32>
        %swap3A_575 = vector.shape_cast %add3A_571 : vector<16xf32> to vector<16xf32>
        tpu.vector_store %arg11[%swap3A_572], %swap3A_575 {strides = array<i32>} : memref<32768xf32, #tpu.memory_space<vmem>>, vector<16xf32>,
        %add3A_576 = arith.constant 144 : i32
        %add3A_577 = arith.addi %mul3A_477, %add3A_576 : i32
        %get3A_578 = arith.index_cast %add3A_577 : i32 to index
        %get3A_579 = tpu.vector_load %arg10[%get3A_578] {strides = array<i32>} : memref<32768xf32, #tpu.memory_space<vmem>>, vector<16xf32>,
        %get3A_580 = vector.shape_cast %get3A_579 : vector<16xf32> to vector<16xf32>
        %mul3A_581 = arith.mulf %get3A_580, %select_n3A_458 : vector<16xf32>
        %add3A_582 = arith.addf %mul3A_581, %select_n3A_452 : vector<16xf32>
        %swap3A_583 = arith.index_cast %add3A_577 : i32 to index
        %swap3A_584 = tpu.vector_load %arg11[%swap3A_583] {strides = array<i32>} : memref<32768xf32, #tpu.memory_space<vmem>>, vector<16xf32>,
        %swap3A_585 = vector.shape_cast %swap3A_584 : vector<16xf32> to vector<16xf32>
        %swap3A_586 = vector.shape_cast %add3A_582 : vector<16xf32> to vector<16xf32>
        tpu.vector_store %arg11[%swap3A_583], %swap3A_586 {strides = array<i32>} : memref<32768xf32, #tpu.memory_space<vmem>>, vector<16xf32>,
        %add3A_587 = arith.constant 160 : i32
        %add3A_588 = arith.addi %mul3A_477, %add3A_587 : i32
        %get3A_589 = arith.index_cast %add3A_588 : i32 to index
        %get3A_590 = tpu.vector_load %arg10[%get3A_589] {strides = array<i32>} : memref<32768xf32, #tpu.memory_space<vmem>>, vector<16xf32>,
        %get3A_591 = vector.shape_cast %get3A_590 : vector<16xf32> to vector<16xf32>
        %mul3A_592 = arith.mulf %get3A_591, %select_n3A_458 : vector<16xf32>
        %add3A_593 = arith.addf %mul3A_592, %select_n3A_452 : vector<16xf32>
        %swap3A_594 = arith.index_cast %add3A_588 : i32 to index
        %swap3A_595 = tpu.vector_load %arg11[%swap3A_594] {strides = array<i32>} : memref<32768xf32, #tpu.memory_space<vmem>>, vector<16xf32>,
        %swap3A_596 = vector.shape_cast %swap3A_595 : vector<16xf32> to vector<16xf32>
        %swap3A_597 = vector.shape_cast %add3A_593 : vector<16xf32> to vector<16xf32>
        tpu.vector_store %arg11[%swap3A_594], %swap3A_597 {strides = array<i32>} : memref<32768xf32, #tpu.memory_space<vmem>>, vector<16xf32>,
        %add3A_598 = arith.constant 176 : i32
        %add3A_599 = arith.addi %mul3A_477, %add3A_598 : i32
        %get3A_600 = arith.index_cast %add3A_599 : i32 to index
        %get3A_601 = tpu.vector_load %arg10[%get3A_600] {strides = array<i32>} : memref<32768xf32, #tpu.memory_space<vmem>>, vector<16xf32>,
        %get3A_602 = vector.shape_cast %get3A_601 : vector<16xf32> to vector<16xf32>
        %mul3A_603 = arith.mulf %get3A_602, %select_n3A_458 : vector<16xf32>
        %add3A_604 = arith.addf %mul3A_603, %select_n3A_452 : vector<16xf32>
        %swap3A_605 = arith.index_cast %add3A_599 : i32 to index
        %swap3A_606 = tpu.vector_load %arg11[%swap3A_605] {strides = array<i32>} : memref<32768xf32, #tpu.memory_space<vmem>>, vector<16xf32>,
        %swap3A_607 = vector.shape_cast %swap3A_606 : vector<16xf32> to vector<16xf32>
        %swap3A_608 = vector.shape_cast %add3A_604 : vector<16xf32> to vector<16xf32>
        tpu.vector_store %arg11[%swap3A_605], %swap3A_608 {strides = array<i32>} : memref<32768xf32, #tpu.memory_space<vmem>>, vector<16xf32>,
        %add3A_609 = arith.constant 192 : i32
        %add3A_610 = arith.addi %mul3A_477, %add3A_609 : i32
        %get3A_611 = arith.index_cast %add3A_610 : i32 to index
        %get3A_612 = tpu.vector_load %arg10[%get3A_611] {strides = array<i32>} : memref<32768xf32, #tpu.memory_space<vmem>>, vector<16xf32>,
        %get3A_613 = vector.shape_cast %get3A_612 : vector<16xf32> to vector<16xf32>
        %mul3A_614 = arith.mulf %get3A_613, %select_n3A_458 : vector<16xf32>
        %add3A_615 = arith.addf %mul3A_614, %select_n3A_452 : vector<16xf32>
        %swap3A_616 = arith.index_cast %add3A_610 : i32 to index
        %swap3A_617 = tpu.vector_load %arg11[%swap3A_616] {strides = array<i32>} : memref<32768xf32, #tpu.memory_space<vmem>>, vector<16xf32>,
        %swap3A_618 = vector.shape_cast %swap3A_617 : vector<16xf32> to vector<16xf32>
        %swap3A_619 = vector.shape_cast %add3A_615 : vector<16xf32> to vector<16xf32>
        tpu.vector_store %arg11[%swap3A_616], %swap3A_619 {strides = array<i32>} : memref<32768xf32, #tpu.memory_space<vmem>>, vector<16xf32>,
        %add3A_620 = arith.constant 208 : i32
        %add3A_621 = arith.addi %mul3A_477, %add3A_620 : i32
        %get3A_622 = arith.index_cast %add3A_621 : i32 to index
        %get3A_623 = tpu.vector_load %arg10[%get3A_622] {strides = array<i32>} : memref<32768xf32, #tpu.memory_space<vmem>>, vector<16xf32>,
        %get3A_624 = vector.shape_cast %get3A_623 : vector<16xf32> to vector<16xf32>
        %mul3A_625 = arith.mulf %get3A_624, %select_n3A_458 : vector<16xf32>
        %add3A_626 = arith.addf %mul3A_625, %select_n3A_452 : vector<16xf32>
        %swap3A_627 = arith.index_cast %add3A_621 : i32 to index
        %swap3A_628 = tpu.vector_load %arg11[%swap3A_627] {strides = array<i32>} : memref<32768xf32, #tpu.memory_space<vmem>>, vector<16xf32>,
        %swap3A_629 = vector.shape_cast %swap3A_628 : vector<16xf32> to vector<16xf32>
        %swap3A_630 = vector.shape_cast %add3A_626 : vector<16xf32> to vector<16xf32>
        tpu.vector_store %arg11[%swap3A_627], %swap3A_630 {strides = array<i32>} : memref<32768xf32, #tpu.memory_space<vmem>>, vector<16xf32>,
        %add3A_631 = arith.constant 224 : i32
        %add3A_632 = arith.addi %mul3A_477, %add3A_631 : i32
        %get3A_633 = arith.index_cast %add3A_632 : i32 to index
        %get3A_634 = tpu.vector_load %arg10[%get3A_633] {strides = array<i32>} : memref<32768xf32, #tpu.memory_space<vmem>>, vector<16xf32>,
        %get3A_635 = vector.shape_cast %get3A_634 : vector<16xf32> to vector<16xf32>
        %mul3A_636 = arith.mulf %get3A_635, %select_n3A_458 : vector<16xf32>
        %add3A_637 = arith.addf %mul3A_636, %select_n3A_452 : vector<16xf32>
        %swap3A_638 = arith.index_cast %add3A_632 : i32 to index
        %swap3A_639 = tpu.vector_load %arg11[%swap3A_638] {strides = array<i32>} : memref<32768xf32, #tpu.memory_space<vmem>>, vector<16xf32>,
        %swap3A_640 = vector.shape_cast %swap3A_639 : vector<16xf32> to vector<16xf32>
        %swap3A_641 = vector.shape_cast %add3A_637 : vector<16xf32> to vector<16xf32>
        tpu.vector_store %arg11[%swap3A_638], %swap3A_641 {strides = array<i32>} : memref<32768xf32, #tpu.memory_space<vmem>>, vector<16xf32>,
        %add3A_642 = arith.constant 240 : i32
        %add3A_643 = arith.addi %mul3A_477, %add3A_642 : i32
        %get3A_644 = arith.index_cast %add3A_643 : i32 to index
        %get3A_645 = tpu.vector_load %arg10[%get3A_644] {strides = array<i32>} : memref<32768xf32, #tpu.memory_space<vmem>>, vector<16xf32>,
        %get3A_646 = vector.shape_cast %get3A_645 : vector<16xf32> to vector<16xf32>
        %mul3A_647 = arith.mulf %get3A_646, %select_n3A_458 : vector<16xf32>
        %add3A_648 = arith.addf %mul3A_647, %select_n3A_452 : vector<16xf32>
        %swap3A_649 = arith.index_cast %add3A_643 : i32 to index
        %swap3A_650 = tpu.vector_load %arg11[%swap3A_649] {strides = array<i32>} : memref<32768xf32, #tpu.memory_space<vmem>>, vector<16xf32>,
        %swap3A_651 = vector.shape_cast %swap3A_650 : vector<16xf32> to vector<16xf32>
        %swap3A_652 = vector.shape_cast %add3A_648 : vector<16xf32> to vector<16xf32>
        tpu.vector_store %arg11[%swap3A_649], %swap3A_652 {strides = array<i32>} : memref<32768xf32, #tpu.memory_space<vmem>>, vector<16xf32>,
      }
      %scan3A_472 = arith.constant 128 : i32
      %mul3A_473 = arith.constant 32768 : i32
      %mul3A_474 = arith.muli %scan3A_464, %mul3A_473 : i32
      "tpu.region"() ({
        %run_scoped3A = tpu.sem_alloc : memref<!tpu.dma_semaphore, #tpu.memory_space<semaphore_mem>>
        %dma_start3A_475 = tpu.memref_slice %arg6[%add3A, %mul3A_474] : memref<32x786432xf32, #tpu.memory_space<hbm>> -> memref<1x32768xf32, #tpu.memory_space<hbm>>
        %dma_start3A_476 = tpu.memref_squeeze %dma_start3A_475 : memref<1x32768xf32, #tpu.memory_space<hbm>> -> memref<32768xf32, #tpu.memory_space<hbm>>
        %dma_start3A_477 = tpu.memref_slice %arg6[%add3A, %mul3A_474] : memref<32x786432xf32, #tpu.memory_space<hbm>> -> memref<1x32768xf32, #tpu.memory_space<hbm>>
        %dma_start3A_478 = tpu.memref_squeeze %dma_start3A_477 : memref<1x32768xf32, #tpu.memory_space<hbm>> -> memref<32768xf32, #tpu.memory_space<hbm>>
        tpu.enqueue_dma source(%arg11 : memref<32768xf32, #tpu.memory_space<vmem>>) target(%dma_start3A_478 : memref<32768xf32, #tpu.memory_space<hbm>>) target_semaphore(%run_scoped3A : memref<!tpu.dma_semaphore, #tpu.memory_space<semaphore_mem>>)
        %dma_wait3A_479 = tpu.memref_slice %arg6[%add3A, %mul3A_474] : memref<32x786432xf32, #tpu.memory_space<hbm>> -> memref<1x32768xf32, #tpu.memory_space<hbm>>
        %dma_wait3A_480 = tpu.memref_squeeze %dma_wait3A_479 : memref<1x32768xf32, #tpu.memory_space<hbm>> -> memref<32768xf32, #tpu.memory_space<hbm>>
        %dma_wait3A_481 = tpu.memref_slice %arg6[%add3A, %mul3A_474] : memref<32x786432xf32, #tpu.memory_space<hbm>> -> memref<1x32768xf32, #tpu.memory_space<hbm>>
        %dma_wait3A_482 = tpu.memref_squeeze %dma_wait3A_481 : memref<1x32768xf32, #tpu.memory_space<hbm>> -> memref<32768xf32, #tpu.memory_space<hbm>>
        tpu.wait_dma2 semaphore(%run_scoped3A : memref<!tpu.dma_semaphore, #tpu.memory_space<semaphore_mem>>) src(%arg11 : memref<32768xf32, #tpu.memory_space<vmem>>) dst(%dma_wait3A_482 : memref<32768xf32, #tpu.memory_space<hbm>>)
        tpu.yield
      }) : () -> ()
    }
    %scan3A_463 = arith.constant 24 : i32
    return
  }
}

</mosaic_0001>

<sc_bundles>
// kernel: kernel.3.cloned.1.call-start
scs
__scs_entry_jumppad:
0x0: {  	(pc) =	sbr.rel $0x88, $3  }
0x1: {  	(tag) =	ssettag $0x0;
	lr =	simm.s32 $0x1  }
0x2: {  	[smem:$0x3F9E] =	sst lr;
	_ =	strace $0xD0000000  }
0x3: {  	_ = 	snop  }
0x4: {  	_ = 	snop  }
0x5: {  	_ = 	snop  }
0x6: {  	_ = 	snop  }
0x7: {  	_ = 	snop  }
__scs_overlays_trampoline_lowered:
0x8: {  	[smem:$0x3FAD] =	sst s0  }
0x9: {  	[smem:$0x3FAE] =	sst s1  }
0xa: {  	[smem:$0x3FAF] =	sst s2  }
0xb: {  	[smem:$0x3FB0] =	sst s3  }
0xc: {  	[smem:$0x3FB1] =	sst s4  }
0xd: {  	[smem:$0x3FB2] =	sst s5  }
0xe: {  	[smem:$0x3FB3] =	sst s6  }
0xf: {  	[smem:$0x3FB4] =	sst s7  }
0x10: {  	[smem:$0x3FB5] =	sst s8  }
0x11: {  	[smem:$0x3FB6] =	sst s9;
	s0 =	simm.s32 @!p0 $0x0  }
0x12: {  	s1 =	sld [smem:$0x3F9C];
	s0 =	simm.s32 @p0 $0x1  }
0x13: {  	[smem:$0x3FB7] =	sst s0;
	s0 =	simm.s32 @!p1 $0x0  }
0x14: {  	s2 =	sld [smem:$0x3F9B];
	s0 =	simm.s32 @p1 $0x1  }
0x15: {  	[smem:$0x3FB8] =	sst s0;
	s0 =	simm.s32 @!p2 $0x0  }
0x16: {  	s3 =	sld [smem:$0x3FDB];
	s0 =	simm.s32 @p2 $0x1  }
0x17: {  	s4 =	simm.s32 $0x1BF5;
	[smem:$0x3FBA] =	sst s0  }
0x18: {  	s0 =	sld [smem:$0x3F9D];
	_ =	swait.ge [sflag:s4], $0x0  }
0x19: {  	s7 =	sld [smem:$0x3F9E]  }
0x1a: {  	s8 =	sadd.s32 $0xFFFFE003, lr  }
0x1b: {  	s9 =	sadd.s32 $0xFFFFFEF7, lr;
	s5 =	simm.s32 $0xFFFFFFFF;
	p2 =	slt.u32 s8, $0xFFFFF086  }
0x1c: {  	p1 =	slt.u32 s9, $0xF7A;
	s5 =	simm.s32 @!p2 $0x0  }
0x1d: {  	s5 =	simm.s32 @p1 $0x1;
	p0 =	seq.s32 s7, s2  }
0x1e: {  	s7 =	smul.u32 @!p0 $0xF7A, s2;
	p2 =	seq.s32 @!p0 s5, $0x0  }
0x1f: {  	s9 =	smul.u32 $0xF7A, s1;
	s8 =	simm.s32 @!p0 $0x1BF5;
	p2 =	por !p2, p0  }
0x20: {  	[sflag:s8] =	ssyncset.s32 @!p0 $0xFFFFF086;
	s6 =	sadd.s32 @!p0 s3, s7;
	s7 =	simm.s32 @!p0 $0x108  }
0x21: {  	s3 =	sadd.s32 s3, s9;
	s6 =	sadd.s32 @!p0 $0x88, s6;
	s7 =	simm.s32 @p2 $0x1082  }
0x22: {  	[simem:s7], [sflag:s8] =	dma.local @!p0 [hbm:s6], $0xF7A  }
0x23: {  	s9 =	sor.u32 $0xD0000000, s2;
	s6 =	simm.s32 $0x108;
	_ =	swait.ge @!p0 [sflag:s8], $0x0  }
0x24: {  	s3 =	sadd.s32 $0x88, s3;
	s6 =	simm.s32 @!p1 $0x1082;
	[sflag:s4] =	ssyncset.s32 $0xFFFFF086  }
0x25: {  	[simem:s6], [sflag:s4] =	dma.local [hbm:s3], $0xF7A  }
0x26: {  	[smem:$0x3F9E] =	sst s1;
	(tag) =	ssettag s2;
	_ =	strace s9  }
0x27: {  	s1 =	sld [smem:$0x3FAE]  }
0x28: {  	s2 =	sld [smem:$0x3FAF]  }
0x29: {  	s4 =	sld [smem:$0x3FB1]  }
0x2a: {  	p0 =	seq.s32 s5, $0x0;
	s5 =	sld [smem:$0x3FB2]  }
0x2b: {  	s6 =	sld [smem:$0x3FB3]  }
0x2c: {  	s7 =	sld [smem:$0x3FB4]  }
0x2d: {  	s3 =	simm.s32 $0x108;
	s8 =	sld [smem:$0x3FB5]  }
0x2e: {  	s3 =	simm.s32 @!p0 $0x1082;
	s9 =	sld [smem:$0x3FB6]  }
0x2f: {  	lr =	sadd.s32 s0, s3;
	s0 =	sld [smem:$0x3FAD]  }
0x30: {  	s3 =	sld [smem:$0x3FB0]  }
0x31: {  	[smem:$0x3FB9] =	sst s10  }
0x32: {  	s10 =	sld [smem:$0x3FB7];
	_ =	sdelay $0x3  }
0x33: {  	p0 =	seq.s32 s10, $0x1;
	s10 =	sld [smem:$0x3FB9];
	_ =	sdelay $0x3  }
0x34: {  	[smem:$0x3FB9] =	sst s10  }
0x35: {  	s10 =	sld [smem:$0x3FB8];
	_ =	sdelay $0x3  }
0x36: {  	p1 =	seq.s32 s10, $0x1;
	s10 =	sld [smem:$0x3FB9];
	_ =	sdelay $0x3  }
0x37: {  	[smem:$0x3FB9] =	sst s10  }
0x38: {  	s10 =	sld [smem:$0x3FBA]  }
0x39: {  	_ = 	snop;
	(pc) =	sbr.ind lr, $3  }
0x3a: {  	_ = 	snop  }
0x3b: {  	_ = 	snop  }
0x3c: {  	p2 =	seq.s32 s10, $0x1;
	s10 =	sld [smem:$0x3FB9]  }
0x3d: {  	_ =	shalt  }
0x3e: {  	_ =	shalt  }
0x3f: {  	_ =	shalt  }
0x40: {  	_ =	shalt  }
0x41: {  	_ =	shalt  }
0x42: {  	_ =	shalt  }
0x43: {  	_ =	shalt  }
0x44: {  	_ =	shalt  }
0x45: {  	_ =	shalt  }
0x46: {  	_ =	shalt  }
0x47: {  	_ =	shalt  }
0x48: {  	_ =	shalt  }
0x49: {  	_ =	shalt  }
0x4a: {  	_ =	shalt  }
0x4b: {  	_ =	shalt  }
0x4c: {  	_ =	shalt  }
0x4d: {  	_ =	shalt  }
0x4e: {  	_ =	shalt  }
0x4f: {  	_ =	shalt  }
0x50: {  	_ =	shalt  }
0x51: {  	_ =	shalt  }
0x52: {  	_ =	shalt  }
0x53: {  	_ =	shalt  }
0x54: {  	_ =	shalt  }
0x55: {  	_ =	shalt  }
0x56: {  	_ =	shalt  }
0x57: {  	_ =	shalt  }
0x58: {  	_ =	shalt  }
0x59: {  	_ =	shalt  }
0x5a: {  	_ =	shalt  }
0x5b: {  	_ =	shalt  }
0x5c: {  	_ =	shalt  }
0x5d: {  	_ =	shalt  }
0x5e: {  	_ =	shalt  }
0x5f: {  	_ =	shalt  }
0x60: {  	_ =	shalt  }
0x61: {  	_ =	shalt  }
0x62: {  	_ =	shalt  }
0x63: {  	_ =	shalt  }
0x64: {  	_ =	shalt  }
0x65: {  	_ =	shalt  }
0x66: {  	_ =	shalt  }
0x67: {  	_ =	shalt  }
0x68: {  	_ =	shalt  }
0x69: {  	_ =	shalt  }
0x6a: {  	_ =	shalt  }
0x6b: {  	_ =	shalt  }
0x6c: {  	_ =	shalt  }
0x6d: {  	_ =	shalt  }
0x6e: {  	_ =	shalt  }
0x6f: {  	_ =	shalt  }
0x70: {  	_ =	shalt  }
0x71: {  	_ =	shalt  }
0x72: {  	_ =	shalt  }
0x73: {  	_ =	shalt  }
0x74: {  	_ =	shalt  }
0x75: {  	_ =	shalt  }
0x76: {  	_ =	shalt  }
0x77: {  	_ =	shalt  }
0x78: {  	_ =	shalt  }
0x79: {  	_ =	shalt  }
0x7a: {  	_ =	shalt  }
0x7b: {  	_ =	shalt  }
0x7c: {  	_ =	shalt  }
0x7d: {  	_ =	shalt  }
0x7e: {  	_ =	shalt  }
0x7f: {  	_ =	shalt  }
0x80: {  	_ =	shalt  }
0x81: {  	_ =	shalt  }
0x82: {  	_ =	shalt  }
0x83: {  	_ =	shalt  }
0x84: {  	_ =	shalt  }
0x85: {  	_ =	shalt  }
0x86: {  	_ =	shalt  }
0x87: {  	_ =	shalt  }
.Lfunc_end0:
.L_simem_size_0:
called_computation.2_lowered:
.L_overlay_start_0:
0x88: {  	s2 =	sld [smem:$0x3FD9]  }
0x89: {  	s3 =	sld [smem:$0x3FFE];
	_ =	sdelay $0x1  }
0x8a: {  	s1 =	srdreg.scid  }
0x8b: {  	s0 =	sand.u32 $0x1, s1  }
0x8c: {  	s17 =	sshll.u32 s0, $0xA;
	s2 =	sadd.s32 s3, s2  }
0x8d: {  	s2 =	sadd.s32 s2, s17  }
0x8e: {  	[smem:$0x3FC5] =	sst s2  }
0x8f: {  	_ = 	snop  }
0x90: {  	s2 =	sld [smem:$0x3FD0];
	(tm) =	ssettm $0x1  }
0x91: {  	s18 =	sld [smem:$0x3FFB];
	_ =	sdelay $0x3  }
0x92: {  	_ =	strace s18  }
0x93: {  	s3 =	sld [smem:$0x3FFC];
	_ =	sdelay $0x3  }
0x94: {  	_ =	strace s3  }
0x95: {  	s3 =	sld [smem:$0x3FFD];
	_ =	sdelay $0x3  }
0x96: {  	_ =	strace s3  }
0x97: {  	_ =	strace $0x8FFFFFFF  }
0x98: {  	s19 =	sld [smem:$0x3FDB];
	_ =	sdelay $0x1  }
0x99: {  	s4 =	simm.s32 $_scs_section_size  }
0x9a: {  	s5 =	simm.s32 $_size__tile_overlayer_lowered;
	s6 =	simm.s32 $_tile_overlayer_lowered  }
0x9b: {  	s22 =	simm.s32 $0x1BFF;
	s21 =	sshll.u32 s6, $0x1;
	s3 =	sadd.s32 s4, s19  }
0x9c: {  	s7 =	simm.s32 $0x0;
	s20 =	sshll.u32 s5, $0x1;
	s5 =	sadd.s32 s21, s3  }
0x9d: {  	[timem:s7], [sflag:s22] =	dma.local [hbm:s5], s20  }
0x9e: {  	_ =	swait.ge [sflag:s22], s20  }
0x9f: {  	s4 =	ssub.s32 $0x0, s20;
	[sflag:s22] =	ssyncset.done $0x0  }
0xa0: {  	[sflag:s22] =	ssyncadd.s32 s4;
	_ =	sdelay $0x1  }
0xa1: {  	s23 =	simm.s32 $0x1B8B  }
0xa2: {  	_ =	swait.ge [sflag:s23], $0x1  }
0xa3: {  	[sflag:s23] =	ssyncset.done $0x0  }
0xa4: {  	s25 =	simm.s32 $0x1B8E;
	s24 =	sld [smem:$0x3FFE];
	[sflag:s23] =	ssyncadd.s32 $0xFFFFFFFF  }
0xa5: {  	s26 =	simm.s32 $execute0_lowered;
	[smem:$0x3FD2] =	sst s25  }
0xa6: {  	s5 =	sshll.u32 s26, $0x1;
	_ =	strace $0x80000049;
	[dreg:$0x1] =	wrdreg $0xFFFFFFFF  }
0xa7: {  	s28 =	simm.s32 $_size_execute0_lowered;
	s3 =	sadd.s32 s3, s5;
	[dreg:$0x0] =	wrdreg $0x0  }
0xa8: {  	s5 =	sshll.u32 s28, $0x1;
	[dreg:$0x2] =	wrdreg s3  }
0xa9: {  	[dreg:$0x3] =	wrdreg s5  }
0xaa: {  	[dreg:$0x4] =	wrdreg $0xC0  }
0xab: {  	_ =	task [dreg:s7], $0x5FFFF  }
0xac: {  	[dreg:$0x1] =	wrdreg $0xFFFFFFFF  }
0xad: {  	[dreg:$0x0] =	wrdreg $0x60  }
0xae: {  	[dreg:$0x2] =	wrdreg s2  }
0xaf: {  	[dreg:$0x3] =	wrdreg s24  }
0xb0: {  	[dreg:$0x4] =	wrdreg $0x9  }
0xb1: {  	_ =	task.clear_ibuf [dreg:s7], $0x5FFFF;
	_ =	strace $0x90000049  }
0xb2: {  	s29 =	simm.s32 $0x9;
	_ =	strace $0x8000004B  }
0xb3: {  	_ =	swait.ge [sflag:s29], $0x1  }
0xb4: {  	[sflag:s29] =	ssyncadd.s32 $0xFFFFFFFF  }
0xb5: {  	_ =	strace $0x9000004B  }
0xb6: {  	_ =	sfence  }
0xb7: {  	s30 =	sld [smem:$0x0];
	_ =	sdelay $0x2  }
0xb8: {  	s31 =	sshll.u32 s1, $0xD;
	s1 =	sshrl.u32 s1, $0x2  }
0xb9: {  	s3 =	sand.u32 $0x4000, s31;
	s1 =	sadd.s32 s1, s30  }
0xba: {  	s0 =	sor.u32 s3, s0;
	s1 =	sshll.u32 s1, $0x11  }
0xbb: {  	s0 =	sor.u32 s1, s0  }
0xbc: {  	s0 =	sadd.s32 $0x8F2B, s0  }
0xbd: {  	[sflag:s0] =	ssyncadd.remote.s32 $0x1  }
0xbe: {  	_ =	sfence.sel $0xFFFF  }
0xbf: {  	[dreg:$0x0] =	wrdreg $0xFFFFFFFF;
	(pc) =	sbr.abs _section_cstart, $3  }
0xc0: {  	[dreg:$0x1] =	wrdreg $0xFFFFFFFF  }
0xc1: {  	_ =	task.clear_ibuf [dreg:s7], $0x2FFFF;
	_ =	strace $0x9FFFFFFF  }
0xc2: {  	(tm) =	ssettm $0x7FFFFFFF  }
0xc3: {  	_ =	shalt  }
tec
execute0_lowered:
.L_overlay_start_1:
0x0: {  	(tag) =	ssettag $0x1  }
0x1: {  	s5 =	srdreg.scid;
	s2 =	stileid.u32  }
0x2: {  	s6 =	sand.u32 $0x1, s5;
	s8 =	sshll.u32 s2, $0x1  }
0x3: {  	s1 =	rddreg [dreg:$0x0];
	s31 =	sshrl.u32 s2, $0x2;
	s19 =	sor.u32 s6, s8  }
0x4: {  	s7 =	rddreg [dreg:$0x1];
	s8 =	smul.u32 $0x600000, s31;
	s10 =	sshll.u32 s19, $0x7  }
0x5: {  	s0 =	rddreg [dreg:$0x2];
	p0 =	seq.s32 s19, $0x1F;
	s10 =	sand.u32 $0x380, s10  }
0x6: {  	s3 =	simm.s32 $0x0;
	s8 =	sor.u32 s10, s8;
	s10 =	simm.s32 @!p0 $0x0  }
0x7: {  	[smem:$0x7FF] =	sst s3;
	s10 =	simm.s32 @p0 $0x1;
	p0 =	seq.s32 s19, $0x1E  }
0x8: {  	_ =	strace $0x8000004A;
	[smem:$0x7E4] =	sst s10;
	s10 =	simm.s32 @!p0 $0x0  }
0x9: {  	s10 =	simm.s32 @p0 $0x1;
	p0 =	seq.s32 s19, $0x1D  }
0xa: {  	[smem:$0x7E5] =	sst s10;
	s10 =	simm.s32 @!p0 $0x0  }
0xb: {  	s10 =	simm.s32 @p0 $0x1;
	p0 =	seq.s32 s19, $0x1C  }
0xc: {  	[smem:$0x7E6] =	sst s10;
	s10 =	simm.s32 @!p0 $0x0  }
0xd: {  	s10 =	simm.s32 @p0 $0x1;
	p0 =	seq.s32 s19, $0x1B  }
0xe: {  	[smem:$0x7E7] =	sst s10;
	s10 =	simm.s32 @!p0 $0x0  }
0xf: {  	s10 =	simm.s32 @p0 $0x1;
	p0 =	seq.s32 s19, $0x1A  }
0x10: {  	[smem:$0x7E8] =	sst s10;
	s10 =	simm.s32 @!p0 $0x0  }
0x11: {  	s10 =	simm.s32 @p0 $0x1;
	p0 =	seq.s32 s19, $0x19  }
0x12: {  	[smem:$0x7E9] =	sst s10;
	s10 =	simm.s32 @!p0 $0x0  }
0x13: {  	s10 =	simm.s32 @p0 $0x1;
	p0 =	seq.s32 s19, $0x18  }
0x14: {  	s20 =	simm.s32 @!p0 $0x0  }
0x15: {  	s20 =	simm.s32 @p0 $0x1;
	p0 =	seq.s32 s19, $0x17  }
0x16: {  	[smem:$0x7EB] =	sst s20;
	s20 =	simm.s32 @!p0 $0x0  }
0x17: {  	s20 =	simm.s32 @p0 $0x1;
	p0 =	seq.s32 s19, $0x16  }
0x18: {  	[smem:$0x7EC] =	sst s20;
	s20 =	simm.s32 @!p0 $0x0  }
0x19: {  	s20 =	simm.s32 @p0 $0x1;
	p0 =	seq.s32 s19, $0x15  }
0x1a: {  	[smem:$0x7ED] =	sst s20;
	s20 =	simm.s32 @!p0 $0x0  }
0x1b: {  	s20 =	simm.s32 @p0 $0x1;
	p0 =	seq.s32 s19, $0x14  }
0x1c: {  	[smem:$0x7EE] =	sst s20;
	s20 =	simm.s32 @!p0 $0x0  }
0x1d: {  	s20 =	simm.s32 @p0 $0x1;
	p0 =	seq.s32 s19, $0x13  }
0x1e: {  	[smem:$0x7EF] =	sst s20;
	s20 =	simm.s32 @!p0 $0x0  }
0x1f: {  	s20 =	simm.s32 @p0 $0x1;
	p0 =	seq.s32 s19, $0x12  }
0x20: {  	[smem:$0x7F0] =	sst s20;
	s20 =	simm.s32 @!p0 $0x0  }
0x21: {  	s20 =	simm.s32 @p0 $0x1;
	p0 =	seq.s32 s19, $0x11  }
0x22: {  	[smem:$0x7F1] =	sst s20;
	s20 =	simm.s32 @!p0 $0x0  }
0x23: {  	s20 =	simm.s32 @p0 $0x1;
	p0 =	seq.s32 s19, $0x10  }
0x24: {  	[smem:$0x7F2] =	sst s20;
	s20 =	simm.s32 @!p0 $0x0  }
0x25: {  	s12 =	simm.s32 $0x80;
	s20 =	simm.s32 @p0 $0x1;
	p0 =	seq.s32 s19, $0xF  }
0x26: {  	s13 =	simm.s32 $0x1;
	[smem:$0x7F3] =	sst s20;
	s20 =	simm.s32 @!p0 $0x0  }
0x27: {  	s14 =	simm.s32 $0x1080;
	s20 =	simm.s32 @p0 $0x1;
	p0 =	seq.s32 s19, $0xE  }
0x28: {  	s15 =	simm.s32 $0x400;
	[smem:$0x7F4] =	sst s20;
	s20 =	simm.s32 @!p0 $0x0  }
0x29: {  	s16 =	simm.s32 $0x2080;
	s20 =	simm.s32 @p0 $0x1;
	p0 =	seq.s32 s19, $0xD  }
0x2a: {  	s17 =	simm.s32 $0xA080;
	[smem:$0x7F5] =	sst s20;
	s20 =	simm.s32 @!p0 $0x0  }
0x2b: {  	s18 =	simm.s32 $0x0;
	s20 =	simm.s32 @p0 $0x1;
	p0 =	seq.s32 s19, $0xC  }
0x2c: {  	s4 =	sadd.s32 $0x1600, s7;
	[smem:$0x7F6] =	sst s20;
	s20 =	simm.s32 @!p0 $0x0  }
0x2d: {  	s5 =	sadd.s32 $0x1200, s7;
	s20 =	simm.s32 @p0 $0x1;
	p0 =	seq.s32 s19, $0xB  }
0x2e: {  	s9 =	ssub.s32 $0x2, s6;
	[smem:$0x7F7] =	sst s20;
	s20 =	simm.s32 @!p0 $0x0  }
0x2f: {  	s6 =	sadd.s32 $0x1800, s7;
	s20 =	simm.s32 @p0 $0x1;
	p0 =	seq.s32 s19, $0xA  }
0x30: {  	s7 =	sadd.s32 $0x1A00, s7;
	[smem:$0x7F8] =	sst s20;
	s20 =	simm.s32 @!p0 $0x0  }
0x31: {  	s11 =	sshrl.u32 s9, $0x1;
	s20 =	simm.s32 @p0 $0x1;
	p0 =	seq.s32 s19, $0x9  }
0x32: {  	p5 =	seq.s32 s19, $0x5;
	[smem:$0x7F9] =	sst s20;
	s20 =	simm.s32 @!p0 $0x0  }
0x33: {  	p6 =	seq.s32 s19, $0x4;
	s20 =	simm.s32 @p0 $0x1;
	p0 =	seq.s32 s19, $0x8  }
0x34: {  	p1 =	seq.s32 s19, $0x2;
	[smem:$0x7FA] =	sst s20;
	s20 =	simm.s32 @!p0 $0x0  }
0x35: {  	p2 =	seq.s32 s19, $0x1;
	s20 =	simm.s32 @p0 $0x1;
	p0 =	seq.s32 s19, $0x7  }
0x36: {  	p3 =	seq.s32 s19, $0x0;
	[smem:$0x7FB] =	sst s20;
	s20 =	simm.s32 @!p0 $0x0  }
0x37: {  	s9 =	ssub.s32 s9, s11;
	s20 =	simm.s32 @p0 $0x1;
	p0 =	seq.s32 s19, $0x6  }
0x38: {  	s11 =	simm.s32 $0x20;
	[smem:$0x7FC] =	sst s20;
	s20 =	simm.s32 @!p0 $0x0  }
0x39: {  	s9 =	smax.u32 s9, $0x1;
	[smem:$0x7EA] =	sst s10;
	s20 =	simm.s32 @p0 $0x1  }
0x3a: {  	s10 =	simm.s32 $0x2;
	p0 =	seq.s32 s19, $0x3;
	[smem:$0x7FD] =	sst s20  }
.LBB2_1:
0x3b: {  	[tilespmem:s3], [sflag:$0x2] =	stream.linear.gather [hbm4b:s4+s3], $0x80, $0x38;
	[tilespmem:$0x12080] =	vst v63  }
0x3c: {  	_ =	swait.ge [sflag:s10], $0x80  }
0x3d: {  	[sflag:s10] =	ssyncset.done $0x0  }
0x3e: {  	[sflag:s10] =	ssyncadd.s32 $0xFFFFFF80  }
0x3f: {  	[tilespmem:s12], [sflag:$0x1] =	stream.indirect.gather [hbm4b:s5+s11], $0x80, s3, s11, $0xb8;
	[tilespmem:$0x12080] =	vst v63  }
0x40: {  	_ =	swait.ge [sflag:s13], $0x1000  }
0x41: {  	[sflag:s13] =	ssyncset.done $0x0  }
0x42: {  	[sflag:s13] =	ssyncadd.s32 $0xFFFFF000  }
0x43: {  	[tilespmem:s14], [sflag:$0x1] =	stream.indirect.gather [hbm4b:s6+s11], $0x80, s3, s11, $0xb8;
	[tilespmem:$0x12080] =	vst v63  }
0x44: {  	_ =	swait.ge [sflag:s13], $0x1000  }
0x45: {  	[sflag:s13] =	ssyncset.done $0x0  }
0x46: {  	[sflag:s13] =	ssyncadd.s32 $0xFFFFF000  }
0x47: {  	v0 =	vld [tilespmem:$0x80]  }
0x48: {  	v1 =	vld [tilespmem:$0x1080]  }
0x49: {  	v2 =	vld [tilespmem:$0x100]  }
0x4a: {  	v3 =	vld [tilespmem:$0x1100]  }
0x4b: {  	v4 =	vld [tilespmem:$0x180]  }
0x4c: {  	v5 =	vld [tilespmem:$0x1180]  }
0x4d: {  	v6 =	vld [tilespmem:$0x200]  }
0x4e: {  	v7 =	vld [tilespmem:$0x1200]  }
0x4f: {  	v8 =	vld [tilespmem:$0x280]  }
0x50: {  	v9 =	vld [tilespmem:$0x1280]  }
0x51: {  	v10 =	vld [tilespmem:$0x300]  }
0x52: {  	v11 =	vld [tilespmem:$0x1300]  }
0x53: {  	v12 =	vld [tilespmem:$0x380]  }
0x54: {  	v13 =	vld [tilespmem:$0x1380]  }
0x55: {  	v14 =	vld [tilespmem:$0x400]  }
0x56: {  	v15 =	vld [tilespmem:$0x1400]  }
0x57: {  	v16 =	vld [tilespmem:$0x480]  }
0x58: {  	v17 =	vld [tilespmem:$0x1480]  }
0x59: {  	v18 =	vld [tilespmem:$0x500]  }
0x5a: {  	v19 =	vld [tilespmem:$0x1500]  }
0x5b: {  	v20 =	vld [tilespmem:$0x580]  }
0x5c: {  	v21 =	vld [tilespmem:$0x1580]  }
0x5d: {  	v22 =	vld [tilespmem:$0x600]  }
0x5e: {  	v23 =	vld [tilespmem:$0x1600]  }
0x5f: {  	v24 =	vld [tilespmem:$0x680]  }
0x60: {  	v25 =	vld [tilespmem:$0x1680]  }
0x61: {  	v26 =	vld [tilespmem:$0x700]  }
0x62: {  	v27 =	vld [tilespmem:$0x1700]  }
0x63: {  	v28 =	vld [tilespmem:$0x780]  }
0x64: {  	v29 =	vld [tilespmem:$0x1780]  }
0x65: {  	v30 =	vld [tilespmem:$0x800]  }
0x66: {  	v31 =	vld [tilespmem:$0x1800]  }
0x67: {  	v32 =	vld [tilespmem:$0x880]  }
0x68: {  	v33 =	vld [tilespmem:$0x1880]  }
0x69: {  	v34 =	vld [tilespmem:$0x900]  }
0x6a: {  	v35 =	vld [tilespmem:$0x1900]  }
0x6b: {  	v36 =	vld [tilespmem:$0x980]  }
0x6c: {  	v37 =	vld [tilespmem:$0x1980];
	v0 =	vpsel !p3, $0x0, v0;
	v1 =	vpsel !p3, $0x0, v1  }
0x6d: {  	v42 =	vld [tilespmem:$0xA80];
	v0 =	vpsel p2, v2, v0;
	v1 =	vpsel p2, v3, v1  }
0x6e: {  	s19 =	sld [smem:$0x7FD];
	v43 =	vld [tilespmem:$0x1A80];
	v0 =	vpsel p1, v4, v0;
	v1 =	vpsel p1, v5, v1  }
0x6f: {  	s29 =	sld [smem:$0x7FC];
	v44 =	vld [tilespmem:$0xB00];
	v0 =	vpsel p0, v6, v0;
	v1 =	vpsel p0, v7, v1  }
0x70: {  	s30 =	sld [smem:$0x7FB];
	v45 =	vld [tilespmem:$0x1B00];
	v0 =	vpsel p6, v8, v0;
	v1 =	vpsel p6, v9, v1  }
0x71: {  	s31 =	sld [smem:$0x7FA];
	v46 =	vld [tilespmem:$0xB80];
	p4 =	seq.s32 s19, $0x1;
	v0 =	vpsel p5, v10, v0;
	v1 =	vpsel p5, v11, v1  }
0x72: {  	s20 =	sld [smem:$0x7F9];
	v47 =	vld [tilespmem:$0x1B80];
	v0 =	vpsel p4, v12, v0;
	v1 =	vpsel p4, v13, v1;
	p4 =	seq.s32 s29, $0x1  }
0x73: {  	s21 =	sld [smem:$0x7F8];
	v48 =	vld [tilespmem:$0xC00];
	v0 =	vpsel p4, v14, v0;
	v1 =	vpsel p4, v15, v1;
	p4 =	seq.s32 s30, $0x1  }
0x74: {  	s22 =	sld [smem:$0x7F7];
	v49 =	vld [tilespmem:$0x1C00];
	v0 =	vpsel p4, v16, v0;
	v1 =	vpsel p4, v17, v1;
	p4 =	seq.s32 s31, $0x1  }
0x75: {  	s23 =	sld [smem:$0x7F6];
	v50 =	vld [tilespmem:$0xC80];
	v0 =	vpsel p4, v18, v0;
	v1 =	vpsel p4, v19, v1;
	p4 =	seq.s32 s20, $0x1  }
0x76: {  	s24 =	sld [smem:$0x7F5];
	v51 =	vld [tilespmem:$0x1C80];
	v0 =	vpsel p4, v20, v0;
	v1 =	vpsel p4, v21, v1;
	p4 =	seq.s32 s21, $0x1  }
0x77: {  	s25 =	sld [smem:$0x7F4];
	v52 =	vld [tilespmem:$0xD00];
	v0 =	vpsel p4, v22, v0;
	v1 =	vpsel p4, v23, v1;
	p4 =	seq.s32 s22, $0x1  }
0x78: {  	s26 =	sld [smem:$0x7F3];
	v53 =	vld [tilespmem:$0x1D00];
	v0 =	vpsel p4, v24, v0;
	v1 =	vpsel p4, v25, v1;
	p4 =	seq.s32 s23, $0x1  }
0x79: {  	s28 =	sld [smem:$0x7F2];
	v2 =	vld [tilespmem:$0xA00];
	v0 =	vpsel p4, v26, v0;
	v1 =	vpsel p4, v27, v1;
	p4 =	seq.s32 s24, $0x1  }
0x7a: {  	v3 =	vld [tilespmem:$0x1A00];
	s29 =	sld [smem:$0x7F1];
	v0 =	vpsel p4, v28, v0;
	v1 =	vpsel p4, v29, v1;
	p4 =	seq.s32 s25, $0x1  }
0x7b: {  	v54 =	vld [tilespmem:$0xD80];
	s30 =	sld [smem:$0x7F0];
	v0 =	vpsel p4, v30, v0;
	v1 =	vpsel p4, v31, v1;
	p4 =	seq.s32 s26, $0x1  }
0x7c: {  	v55 =	vld [tilespmem:$0x1D80];
	s31 =	sld [smem:$0x7EF];
	v0 =	vpsel p4, v32, v0;
	v1 =	vpsel p4, v33, v1;
	p4 =	seq.s32 s28, $0x1  }
0x7d: {  	v56 =	vld [tilespmem:$0xE00];
	s20 =	sld [smem:$0x7EE];
	v0 =	vpsel p4, v34, v0;
	v1 =	vpsel p4, v35, v1;
	p4 =	seq.s32 s29, $0x1  }
0x7e: {  	v57 =	vld [tilespmem:$0x1E00];
	s21 =	sld [smem:$0x7ED];
	v0 =	vpsel p4, v36, v0;
	v1 =	vpsel p4, v37, v1;
	p4 =	seq.s32 s30, $0x1  }
0x7f: {  	v58 =	vld [tilespmem:$0xF00];
	s22 =	sld [smem:$0x7EC];
	v0 =	vpsel p4, v2, v0;
	v1 =	vpsel p4, v3, v1;
	p4 =	seq.s32 s31, $0x1  }
0x80: {  	v59 =	vld [tilespmem:$0x1F00];
	s23 =	sld [smem:$0x7EB];
	v0 =	vpsel p4, v42, v0;
	v1 =	vpsel p4, v43, v1;
	p4 =	seq.s32 s20, $0x1  }
0x81: {  	v60 =	vld [tilespmem:$0xF80];
	s24 =	sld [smem:$0x7EA];
	v0 =	vpsel p4, v44, v0;
	v1 =	vpsel p4, v45, v1;
	p4 =	seq.s32 s21, $0x1  }
0x82: {  	s25 =	sld [smem:$0x7E9];
	v2 =	vld [tilespmem:$0xE80];
	v0 =	vpsel p4, v46, v0;
	v1 =	vpsel p4, v47, v1;
	p4 =	seq.s32 s22, $0x1  }
0x83: {  	s26 =	sld [smem:$0x7E8];
	v3 =	vld [tilespmem:$0x1E80];
	v0 =	vpsel p4, v48, v0;
	v1 =	vpsel p4, v49, v1;
	p4 =	seq.s32 s23, $0x1  }
0x84: {  	v61 =	vld [tilespmem:$0x1F80];
	s28 =	sld [smem:$0x7E7];
	v0 =	vpsel p4, v50, v0;
	v1 =	vpsel p4, v51, v1;
	p4 =	seq.s32 s24, $0x1  }
0x85: {  	v62 =	vld [tilespmem:$0x1000];
	s29 =	sld [smem:$0x7E6];
	v0 =	vpsel p4, v52, v0;
	v1 =	vpsel p4, v53, v1;
	p4 =	seq.s32 s25, $0x1  }
0x86: {  	v63 =	vld [tilespmem:$0x2000];
	s30 =	sld [smem:$0x7E5];
	v0 =	vpsel p4, v54, v0;
	v1 =	vpsel p4, v55, v1;
	p4 =	seq.s32 s26, $0x1  }
0x87: {  	s31 =	sld [smem:$0x7E4];
	v0 =	vpsel p4, v56, v0;
	v1 =	vpsel p4, v57, v1;
	p4 =	seq.s32 s28, $0x1  }
0x88: {  	v0 =	vpsel p4, v2, v0;
	v1 =	vpsel p4, v3, v1;
	p4 =	seq.s32 s29, $0x1  }
0x89: {  	v0 =	vpsel p4, v58, v0;
	v1 =	vpsel p4, v59, v1;
	p4 =	seq.s32 s30, $0x1  }
0x8a: {  	v0 =	vpsel p4, v60, v0;
	v1 =	vpsel p4, v61, v1;
	p4 =	seq.s32 s31, $0x1  }
0x8b: {  	s19 =	simm.s32 $0x0;
	v0 =	vpsel p4, v62, v0;
	v1 =	vpsel p4, v63, v1  }
.LBB2_2:
0x8c: {  	s20 =	sshll.u32 s19, $0x12  }
0x8d: {  	s20 =	sadd.s32 s8, s20  }
0x8e: {  	s20 =	sshrl.u32 s20, $0x3  }
0x8f: {  	s21 =	sadd.s32 s1, s20  }
0x90: {  	[tilespmem:s16], [sflag:$0x2] =	stream.strided.gather [hbm4b:s21+s12], $0x8000, s15, s12, $0x38;
	[tilespmem:$0x12080] =	vst v63  }
0x91: {  	_ =	swait.ge [sflag:s10], $0x8000  }
0x92: {  	[sflag:s10] =	ssyncset.done $0x0  }
0x93: {  	s21 =	simm.s32 $0x0;
	[sflag:s10] =	ssyncadd.s32 $0xFFFF8000  }
0x94: {  	v2 =	vld [tilespmem:s21+$0x2170];
	_ =	sdelay $0x1  }
0x95: {  	v3 =	vld [tilespmem:s21+$0x2080]  }
0x96: {  	v4 =	vld [tilespmem:s21+$0x2090]  }
0x97: {  	v5 =	vld [tilespmem:s21+$0x20A0]  }
0x98: {  	v2 =	vmul.f32 v2, v1  }
0x99: {  	v6 =	vld [tilespmem:s21+$0x20B0]  }
0x9a: {  	v7 =	vld [tilespmem:s21+$0x20C0];
	v3 =	vmul.f32 v3, v1;
	v2 =	vadd.f32 v2, v0  }
0x9b: {  	v8 =	vld [tilespmem:s21+$0x20D0];
	v4 =	vmul.f32 v4, v1  }
0x9c: {  	v3 =	vadd.f32 v3, v0;
	[tilespmem:s21+$0xA170] =	vst v2;
	v2 =	vmul.f32 v5, v1  }
0x9d: {  	v9 =	vld [tilespmem:s21+$0x20E0];
	v4 =	vadd.f32 v4, v0  }
0x9e: {  	v10 =	vld [tilespmem:s21+$0x20F0];
	[tilespmem:s21+$0xA080] =	vst v3;
	v3 =	vmul.f32 v6, v1;
	v5 =	vadd.f32 v2, v0  }
0x9f: {  	v11 =	vld [tilespmem:s21+$0x2100];
	[tilespmem:s21+$0xA090] =	vst v4;
	v4 =	vmul.f32 v7, v1  }
0xa0: {  	v12 =	vld [tilespmem:s21+$0x2110];
	v6 =	vadd.f32 v3, v0;
	[tilespmem:s21+$0xA0A0] =	vst v5;
	v5 =	vmul.f32 v8, v1  }
0xa1: {  	v2 =	vld [tilespmem:s21+$0x2120];
	v7 =	vadd.f32 v4, v0  }
0xa2: {  	v3 =	vld [tilespmem:s21+$0x2130];
	[tilespmem:s21+$0xA0B0] =	vst v6;
	v6 =	vmul.f32 v9, v1;
	v8 =	vadd.f32 v5, v0  }
0xa3: {  	v4 =	vld [tilespmem:s21+$0x2140];
	[tilespmem:s21+$0xA0C0] =	vst v7;
	v9 =	vmul.f32 v10, v1  }
0xa4: {  	v5 =	vld [tilespmem:s21+$0x2150];
	v7 =	vadd.f32 v6, v0;
	[tilespmem:s21+$0xA0D0] =	vst v8;
	v8 =	vmul.f32 v11, v1  }
0xa5: {  	s22 =	simm.s32 $0x100;
	s23 =	simm.s32 $0x800;
	v10 =	vadd.f32 v9, v0;
	v9 =	vmul.f32 v12, v1;
	v6 =	vld [tilespmem:s21+$0x2160]  }
.LBB2_3:
0xa6: {  	p4 =	sne.s32 s23, $0x1FC00;
	v11 =	vld [tilespmem:s22+$0x2170];
	[tilespmem:s21+$0xA0E0] =	vst v7;
	v7 =	vadd.f32 v8, v0;
	v2 =	vmul.f32 v2, v1  }
0xa7: {  	v8 =	vld [tilespmem:s22+$0x2080];
	[tilespmem:s21+$0xA0F0] =	vst v10;
	v9 =	vadd.f32 v9, v0;
	v3 =	vmul.f32 v3, v1  }
0xa8: {  	v10 =	vld [tilespmem:s22+$0x2090];
	[tilespmem:s21+$0xA100] =	vst v7;
	v2 =	vadd.f32 v2, v0;
	v4 =	vmul.f32 v4, v1  }
0xa9: {  	v7 =	vld [tilespmem:s22+$0x20A0];
	[tilespmem:s21+$0xA110] =	vst v9;
	v3 =	vadd.f32 v3, v0;
	v5 =	vmul.f32 v5, v1  }
0xaa: {  	v9 =	vld [tilespmem:s22+$0x20B0];
	[tilespmem:s21+$0xA120] =	vst v2;
	v2 =	vadd.f32 v4, v0;
	v4 =	vmul.f32 v6, v1  }
0xab: {  	v6 =	vld [tilespmem:s22+$0x20C0];
	v11 =	vmul.f32 v11, v1;
	[tilespmem:s21+$0xA130] =	vst v3;
	v3 =	vadd.f32 v5, v0  }
0xac: {  	v5 =	vmul.f32 v8, v1;
	v8 =	vld [tilespmem:s22+$0x20D0];
	[tilespmem:s21+$0xA140] =	vst v2;
	v2 =	vadd.f32 v4, v0  }
0xad: {  	v4 =	vmul.f32 v10, v1;
	v10 =	vld [tilespmem:s22+$0x20E0];
	v11 =	vadd.f32 v11, v0;
	[tilespmem:s21+$0xA150] =	vst v3  }
0xae: {  	v3 =	vadd.f32 v5, v0;
	v5 =	vmul.f32 v7, v1;
	v7 =	vld [tilespmem:s22+$0x20F0];
	[tilespmem:s21+$0xA160] =	vst v2;
	s21 =	smov.u32 s22  }
0xaf: {  	v2 =	vadd.f32 v4, v0;
	v4 =	vmul.f32 v9, v1;
	v9 =	vld [tilespmem:s21+$0x2100];
	[tilespmem:s21+$0xA170] =	vst v11  }
0xb0: {  	[tilespmem:s21+$0xA080] =	vst v3;
	v3 =	vadd.f32 v5, v0;
	v5 =	vmul.f32 v6, v1;
	v6 =	vld [tilespmem:s21+$0x2110]  }
.Ltmp0:
0xb1: {  	[tilespmem:s21+$0xA090] =	vst v2;
	v4 =	vadd.f32 v4, v0;
	v8 =	vmul.f32 v8, v1;
	v2 =	vld [tilespmem:s21+$0x2120];
	(pc) =	sbr.rel @p4 .LBB2_3-.Ltmp0, $4  }
0xb2: {  	[tilespmem:s21+$0xA0A0] =	vst v3;
	v5 =	vadd.f32 v5, v0;
	v10 =	vmul.f32 v10, v1;
	v3 =	vld [tilespmem:s21+$0x2130]  }
0xb3: {  	[tilespmem:s21+$0xA0B0] =	vst v4;
	v11 =	vadd.f32 v8, v0;
	v12 =	vmul.f32 v7, v1;
	v4 =	vld [tilespmem:s21+$0x2140]  }
0xb4: {  	[tilespmem:s21+$0xA0C0] =	vst v5;
	v7 =	vadd.f32 v10, v0;
	v8 =	vmul.f32 v9, v1;
	v5 =	vld [tilespmem:s21+$0x2150]  }
0xb5: {  	s22 =	sshra.s32 s23, $0x2;
	s23 =	sadd.s32 $0x400, s23;
	[tilespmem:s21+$0xA0D0] =	vst v11;
	v10 =	vadd.f32 v12, v0;
	v9 =	vmul.f32 v6, v1;
	v6 =	vld [tilespmem:s21+$0x2160]  }
0xb6: {  	v11 =	vld [tilespmem:s22+$0x2170];
	[tilespmem:s21+$0xA0E0] =	vst v7;
	v8 =	vadd.f32 v8, v0;
	v2 =	vmul.f32 v2, v1  }
0xb7: {  	v7 =	vld [tilespmem:s22+$0x2080];
	[tilespmem:s21+$0xA0F0] =	vst v10;
	v9 =	vadd.f32 v9, v0  }
0xb8: {  	v3 =	vmul.f32 v3, v1;
	v10 =	vld [tilespmem:s22+$0x2090];
	[tilespmem:s21+$0xA100] =	vst v8;
	v2 =	vadd.f32 v2, v0  }
0xb9: {  	v4 =	vmul.f32 v4, v1;
	v8 =	vld [tilespmem:s22+$0x20A0];
	[tilespmem:s21+$0xA110] =	vst v9  }
0xba: {  	v3 =	vadd.f32 v3, v0;
	v5 =	vmul.f32 v5, v1;
	v9 =	vld [tilespmem:s22+$0x20B0];
	[tilespmem:s21+$0xA120] =	vst v2  }
0xbb: {  	v4 =	vadd.f32 v4, v0;
	v6 =	vmul.f32 v6, v1;
	v2 =	vld [tilespmem:s22+$0x20C0]  }
0xbc: {  	[tilespmem:s21+$0xA130] =	vst v3;
	v5 =	vadd.f32 v5, v0;
	v11 =	vmul.f32 v11, v1  }
0xbd: {  	v3 =	vld [tilespmem:s22+$0x20D0];
	[tilespmem:s21+$0xA140] =	vst v4;
	v6 =	vadd.f32 v6, v0;
	v50 =	vmul.f32 v7, v1  }
0xbe: {  	v4 =	vld [tilespmem:s22+$0x20E0];
	[tilespmem:s21+$0xA150] =	vst v5;
	v11 =	vadd.f32 v11, v0;
	v52 =	vmul.f32 v10, v1  }
0xbf: {  	v51 =	vld [tilespmem:s22+$0x20F0];
	[tilespmem:s21+$0xA160] =	vst v6;
	v5 =	vadd.f32 v50, v0;
	v8 =	vmul.f32 v8, v1  }
0xc0: {  	v53 =	vld [tilespmem:s22+$0x2100];
	[tilespmem:s22+$0xA170] =	vst v11;
	v6 =	vadd.f32 v52, v0;
	v2 =	vmul.f32 v2, v1  }
0xc1: {  	v54 =	vld [tilespmem:s22+$0x2110];
	v9 =	vmul.f32 v9, v1;
	[tilespmem:s22+$0xA080] =	vst v5;
	v8 =	vadd.f32 v8, v0  }
0xc2: {  	v55 =	vld [tilespmem:s22+$0x2120];
	[tilespmem:s22+$0xA090] =	vst v6;
	v3 =	vmul.f32 v3, v1;
	v2 =	vadd.f32 v2, v0  }
0xc3: {  	v56 =	vld [tilespmem:s22+$0x2130];
	v9 =	vadd.f32 v9, v0;
	[tilespmem:s22+$0xA0A0] =	vst v8;
	v4 =	vmul.f32 v4, v1  }
0xc4: {  	v57 =	vld [tilespmem:s22+$0x2140];
	v3 =	vadd.f32 v3, v0;
	[tilespmem:s22+$0xA0C0] =	vst v2;
	v2 =	vmul.f32 v51, v1  }
0xc5: {  	v58 =	vld [tilespmem:s22+$0x2150];
	[tilespmem:s22+$0xA0B0] =	vst v9;
	v4 =	vadd.f32 v4, v0;
	v10 =	vmul.f32 v53, v1  }
0xc6: {  	v59 =	vld [tilespmem:s22+$0x2160];
	[tilespmem:s22+$0xA0D0] =	vst v3;
	v3 =	vmul.f32 v54, v1;
	v2 =	vadd.f32 v2, v0  }
0xc7: {  	v6 =	vmul.f32 v55, v1;
	[tilespmem:s22+$0xA0E0] =	vst v4;
	v60 =	vadd.f32 v10, v0  }
0xc8: {  	[tilespmem:s22+$0xA0F0] =	vst v2;
	v2 =	vadd.f32 v3, v0;
	v3 =	vmul.f32 v56, v1  }
0xc9: {  	v62 =	vmul.f32 v57, v1;
	v61 =	vadd.f32 v6, v0;
	[tilespmem:s22+$0xA100] =	vst v60  }
0xca: {  	[tilespmem:s22+$0xA110] =	vst v2;
	v2 =	vadd.f32 v3, v0;
	v3 =	vmul.f32 v58, v1  }
0xcb: {  	v5 =	vmul.f32 v59, v1;
	v63 =	vadd.f32 v62, v0;
	[tilespmem:s22+$0xA120] =	vst v61  }
0xcc: {  	[tilespmem:s22+$0xA130] =	vst v2;
	v2 =	vadd.f32 v3, v0  }
0xcd: {  	s19 =	sadd.s32 $0x1, s19;
	[tilespmem:s22+$0xA140] =	vst v63;
	v3 =	vadd.f32 v5, v0  }
0xce: {  	p4 =	sne.s32 s19, $0x18;
	[tilespmem:s22+$0xA150] =	vst v2  }
.Ltmp1:
0xcf: {  	s20 =	sadd.s32 s7, s20;
	[tilespmem:s22+$0xA160] =	vst v3;
	(pc) =	sbr.rel @p4 .LBB2_2-.Ltmp1, $4  }
0xd0: {  	[hbm4b:s20+s12] =	stream.strided.scatter [tilespmem:s17], [sflag:$0x2], $0x8000, s15, s12, $0x38;
	[tilespmem:$0x12080] =	vst v63  }
0xd1: {  	_ =	swait.ge [sflag:s10], $0x8000  }
0xd2: {  	[sflag:s10] =	ssyncset.done $0x0  }
0xd3: {  	[sflag:s10] =	ssyncadd.s32 $0xFFFF8000  }
0xd4: {  	s18 =	sadd.s32 $0x1, s18  }
0xd5: {  	p4 =	sne.s32 s18, s9  }
.Ltmp2:
0xd6: {  	_ = 	snop;
	(pc) =	sbr.rel @p4 .LBB2_1-.Ltmp2, $1  }
0xd7: {  	_ =	sdelay $0x3  }
0xd8: {  	_ =	sfence.sel $0x180000  }
0xd9: {  	[bflag:$0x0] =	sbarrier.arrive $0xFFFF  }
0xda: {  	p0 =	sne.s32 s2, $0x0;
	_ =	strace $0x9000004A  }
0xdb: {  	s0 =	sadd.s32 @!p0 $0x100000, s0;
	[bflag:$0x2] =	sbarrier.arrive $0xFFFF  }
0xdc: {  	[sflag:s0] =	ssyncadd.tile.s32 @!p0 $0x1;
	_ =	shalt  }
.Lfunc_end2:
_tile_overlayer_lowered:
.L_overlay_start_2:
0xdd: {  	(tag) =	ssettag $0x2  }
0xde: {  	s0 =	rddreg [dreg:$0x0];
	s2 =	stileid.u32  }
0xdf: {  	s1 =	rddreg [dreg:$0x1];
	p0 =	sne.s32 s2, $0x0  }
0xe0: {  	s3 =	rddreg [dreg:$0x2];
	[bflag:$0x3] =	sbarrier.arrive $0xFFFF;
	s2 =	simm.s32 @!p0 $0x1C02  }
0xe1: {  	[timem:s3], [sflag:s2] =	dma.local @!p0 [hbm:s0], s1  }
0xe2: {  	s0 =	simm.s32 @!p0 $0x2  }
0xe3: {  	_ =	swait.ge @!p0 [sflag:s0], s1  }
0xe4: {  	s1 =	ssub.s32 @!p0 $0x0, s1;
	[sflag:s0] =	ssyncset.done @!p0 $0x0  }
0xe5: {  	[sflag:s0] =	ssyncadd.s32 @!p0 s1  }
0xe6: {  	[bflag:$0x3] =	sbarrier.arrive $0xFFFF  }
0xe7: {  	_ =	shalt  }

// kernel: sparse-core-data-format-call.1.cloned.1.call-start
scs
called_computation.1_lowered:
.L_overlay_start_0:
0x0: {  	s2 =	sld [smem:$0x3FD9]  }
0x1: {  	s3 =	sld [smem:$0x3FFE];
	_ =	sdelay $0x1  }
0x2: {  	s1 =	srdreg.scid  }
0x3: {  	s0 =	sand.u32 $0x1, s1  }
0x4: {  	s19 =	sshll.u32 s0, $0xA;
	s2 =	sadd.s32 s3, s2  }
0x5: {  	s2 =	sadd.s32 s2, s19  }
0x6: {  	[smem:$0x3FC5] =	sst s2  }
0x7: {  	_ = 	snop  }
0x8: {  	s2 =	sld [smem:$0x3FC9]  }
0x9: {  	s20 =	sld [smem:$0x3FD0];
	(tm) =	ssettm $0x1  }
0xa: {  	s4 =	sld [smem:$0x3FFB];
	_ =	sdelay $0x3  }
0xb: {  	_ =	strace s4  }
0xc: {  	s4 =	sld [smem:$0x3FFC];
	_ =	sdelay $0x3  }
0xd: {  	_ =	strace s4  }
0xe: {  	s4 =	sld [smem:$0x3FFD];
	_ =	sdelay $0x3  }
0xf: {  	_ =	strace s4  }
0x10: {  	_ =	strace $0x8FFFFFFF  }
0x11: {  	s21 =	sld [smem:$0x3FDB];
	_ =	sdelay $0x1  }
0x12: {  	s5 =	simm.s32 $_scs_section_size  }
0x13: {  	s6 =	simm.s32 $_size__tile_overlayer_lowered;
	s7 =	simm.s32 $_tile_overlayer_lowered  }
0x14: {  	s24 =	simm.s32 $0x1BFF;
	s23 =	sshll.u32 s7, $0x1;
	s4 =	sadd.s32 s5, s21  }
0x15: {  	s8 =	simm.s32 $0x0;
	s22 =	sshll.u32 s6, $0x1;
	s6 =	sadd.s32 s23, s4  }
0x16: {  	[timem:s8], [sflag:s24] =	dma.local [hbm:s6], s22  }
0x17: {  	_ =	swait.ge [sflag:s24], s22  }
0x18: {  	s5 =	ssub.s32 $0x0, s22;
	[sflag:s24] =	ssyncset.done $0x0  }
0x19: {  	[sflag:s24] =	ssyncadd.s32 s5;
	_ =	sdelay $0x1  }
0x1a: {  	s25 =	simm.s32 $0x1B8B  }
0x1b: {  	_ =	swait.ge [sflag:s25], $0x1  }
0x1c: {  	[sflag:s25] =	ssyncset.done $0x0  }
0x1d: {  	s26 =	simm.s32 $0x1B8E;
	[sflag:s25] =	ssyncadd.s32 $0xFFFFFFFF  }
0x1e: {  	s27 =	simm.s32 $execute0_lowered;
	[smem:$0x3FD2] =	sst s26  }
0x1f: {  	s5 =	sshll.u32 s27, $0x1;
	_ =	strace $0x80000046;
	[dreg:$0x1] =	wrdreg $0xFFFFFFFF  }
0x20: {  	s28 =	simm.s32 $_size_execute0_lowered;
	s4 =	sadd.s32 s4, s5;
	[dreg:$0x0] =	wrdreg $0x0  }
0x21: {  	s5 =	sshll.u32 s28, $0x1;
	[dreg:$0x2] =	wrdreg s4  }
0x22: {  	[dreg:$0x3] =	wrdreg s5  }
0x23: {  	[dreg:$0x4] =	wrdreg $0xC0  }
0x24: {  	_ =	task [dreg:s8], $0x5FFFF  }
0x25: {  	[dreg:$0x1] =	wrdreg $0xFFFFFFFF  }
0x26: {  	[dreg:$0x0] =	wrdreg $0x60  }
0x27: {  	[dreg:$0x2] =	wrdreg s2  }
0x28: {  	[dreg:$0x3] =	wrdreg s20  }
0x29: {  	[dreg:$0x4] =	wrdreg $0x9  }
0x2a: {  	_ =	task.clear_ibuf [dreg:s8], $0x5FFFF;
	_ =	strace $0x90000046  }
0x2b: {  	s29 =	simm.s32 $0x9;
	_ =	strace $0x80000048  }
0x2c: {  	_ =	swait.ge [sflag:s29], $0x1  }
0x2d: {  	[sflag:s29] =	ssyncadd.s32 $0xFFFFFFFF  }
0x2e: {  	_ =	strace $0x90000048  }
0x2f: {  	_ =	sfence  }
0x30: {  	s30 =	sld [smem:$0x0];
	_ =	sdelay $0x2  }
0x31: {  	s31 =	sshll.u32 s1, $0xD;
	s1 =	sshrl.u32 s1, $0x2  }
0x32: {  	s3 =	sand.u32 $0x4000, s31;
	s1 =	sadd.s32 s1, s30  }
0x33: {  	s0 =	sor.u32 s3, s0;
	s1 =	sshll.u32 s1, $0x11  }
0x34: {  	s0 =	sor.u32 s1, s0  }
0x35: {  	s0 =	sadd.s32 $0x8F2B, s0  }
0x36: {  	[sflag:s0] =	ssyncadd.remote.s32 $0x1  }
0x37: {  	_ =	sfence.sel $0xFFFF  }
0x38: {  	[dreg:$0x0] =	wrdreg $0xFFFFFFFF;
	(pc) =	sbr.abs _section_cstart, $3  }
0x39: {  	[dreg:$0x1] =	wrdreg $0xFFFFFFFF  }
0x3a: {  	_ =	task.clear_ibuf [dreg:s8], $0x2FFFF;
	_ =	strace $0x9FFFFFFF  }
0x3b: {  	(tm) =	ssettm $0x7FFFFFFF  }
tec
execute0_lowered:
.L_overlay_start_1:
0x0: {  	(tag) =	ssettag $0x1  }
0x1: {  	s2 =	rddreg [dreg:$0x0]  }
0x2: {  	s3 =	rddreg [dreg:$0x1]  }
0x3: {  	s0 =	rddreg [dreg:$0x2]  }
0x4: {  	s1 =	srdreg.scid;
	_ =	strace $0x80000047;
	s7 =	simm.s32 $0x2  }
0x5: {  	s15 =	simm.s32 $0x0;
	p0 =	por $0x0, $0x0;
	s13 =	simm.s32 $0x0  }
0x6: {  	s16 =	simm.s32 $0x0;
	s14 =	simm.s32 $0x0;
	s9 =	simm.s32 $0x0  }
.Ltmp0:
0x7: {  	s10 =	simm.s32 $0x0;
	s4 =	sshll.u32 s1, $0x4;
	(pc) =	sbr.rel .LBB1_1-.Ltmp0, $4  }
0x8: {  	s1 =	stileid.u32;
	s5 =	sand.u32 $0x10, s4;
	s4 =	simm.s32 $0x1  }
0x9: {  	s8 =	simm.s32 $0x0;
	s6 =	sor.u32 s1, s5;
	[sflag:s4] =	ssyncpa.u1 $0x0  }
0xa: {  	s5 =	sand.u32 $0x3, s1;
	s6 =	sshrl.u32 s6, $0x2;
	[sflag:s7] =	ssyncpa.u1 $0x0  }
0xb: {  	s7 =	simm.s32 $0x1800;
	s12 =	smov.u32 s5;
	s11 =	smov.u32 s6  }
.LBB1_5:
0xc: {  	s17 =	sadd.s32 $0x80, s9  }
0xd: {  	s13 =	sadd.s32 $0x80, s10;
	s18 =	smov.u32 s10;
	p2 =	sgt.s32 s17, $0x2FF  }
0xe: {  	s18 =	smov.u32 @p2 s13  }
0xf: {  	s19 =	smov.u32 s11;
	s13 =	sadd.s32 $0x8, s11;
	p3 =	sgt.s32 s18, $0x3FF  }
0x10: {  	s19 =	smov.u32 @p3 s13  }
0x11: {  	s20 =	smov.u32 s12;
	s13 =	sadd.s32 $0x4, s12;
	p4 =	sgt.s32 s19, $0x7  }
0x12: {  	p1 =	slt.u32 s8, $0x2;
	s20 =	smov.u32 @p4 s13  }
0x13: {  	s8 =	sadd.s32 $0x1, s8;
	s17 =	simm.s32 @p2 $0x0;
	p2 =	sgt.s32 s20, $0x3  }
0x14: {  	s15 =	smov.u32 s9;
	s20 =	smov.u32 @p2 s5;
	p2 =	sne.s32 s8, $0x32  }
.Ltmp1:
0x15: {  	s16 =	smov.u32 s11;
	s21 =	simm.s32 @!p1 $0x2;
	(pc) =	sbr.rel @!p2 .LBB1_6-.Ltmp1, $4  }
0x16: {  	s14 =	smov.u32 s12;
	p0 =	por !p0, !p0;
	_ =	swait.ge @!p1 [sflag:s21], $0x4000  }
0x17: {  	[sflag:s21] =	ssyncset.done @!p1 $0x0;
	s9 =	smov.u32 s17;
	s18 =	simm.s32 @p3 $0x0  }
0x18: {  	[sflag:s21] =	ssyncadd.s32 @!p1 $0xFFFFC000;
	s19 =	smov.u32 @p4 s6;
	s13 =	smov.u32 s10  }
0x19: {  	s10 =	smov.u32 s18;
	s11 =	smov.u32 s19;
	s12 =	smov.u32 s20  }
.LBB1_1:
0x1a: {  	p1 =	sgt.u32 s8, $0x2F  }
0x1b: {  	s17 =	sshrl.u32 @!p1 s10, $0x3  }
0x1c: {  	s18 =	sshll.u32 @!p1 s9, $0x3;
	s17 =	smul.u32 @!p1 $0x1800, s17  }
0x1d: {  	s19 =	sshll.u32 @!p1 s10, $0x7;
	s18 =	sand.u32 @!p1 $0xFFFFFC00, s18  }
0x1e: {  	s17 =	sadd.s32 @!p1 s17, s18;
	s18 =	sand.u32 @!p1 $0x380, s19  }
0x1f: {  	s19 =	sand.u32 @!p1 $0x7F, s9;
	s17 =	sor.u32 @!p1 s18, s17  }
0x20: {  	s18 =	sor.u32 @!p1 s19, s17  }
0x21: {  	s19 =	smulhi.u32 @!p1 $0xAAAAAAAB, s18  }
0x22: {  	s17 =	smulhi.u32 @!p1 $0xAAAAAAAB, s17  }
0x23: {  	s21 =	smul.u32 @!p1 $0xC0000, s12;
	s19 =	sshrl.u32 @!p1 s19, $0x9  }
0x24: {  	s20 =	sxor.u32 @!p1 $0xFFFFFFFF, s8;
	s17 =	sshrl.u32 @!p1 s17, $0x9;
	s19 =	smul.u32 @!p1 $0x300, s19  }
0x25: {  	s22 =	smul.u32 @!p1 $0x18000, s11;
	s20 =	sshll.u32 @!p1 s20, $0xE;
	s17 =	sand.u32 @!p1 $0x3FF, s17  }
0x26: {  	s17 =	smul.u32 @!p1 $0x60, s17;
	s18 =	ssub.s32 @!p1 s18, s19;
	s19 =	sadd.s32 @!p1 s2, s21  }
0x27: {  	s20 =	sand.u32 @!p1 $0x4000, s20;
	s19 =	sadd.s32 @!p1 s22, s19;
	s21 =	sand.u32 @!p1 $0x7, s18  }
0x28: {  	s18 =	sshrl.u32 @!p1 s18, $0x3;
	s17 =	sadd.s32 @!p1 s17, s19;
	s19 =	sshll.u32 @!p1 s21, $0x12  }
0x29: {  	s17 =	sadd.s32 @!p1 s18, s17;
	s18 =	sor.u32 @!p1 $0x400, s19;
	s19 =	simm.s32 @!p1 $0x1800  }
0x2a: {  	[tilespmem:s20], [sflag:$0x1] =	stream.strided.gather @!p1 [hbm4b:s17+s18], $0x4000, s19, s18, $0x38;
	[tilespmem:$0x10000] =	vst v63  }
0x2b: {  	p1 =	seq.s32 s8, $0x0  }
0x2c: {  	p2 =	seq.s32 @!p1 s8, $0x31  }
0x2d: {  	p1 =	por p1, p2  }
.Ltmp2:
0x2e: {  	_ = 	snop;
	(pc) =	sbr.rel @p1 .LBB1_5-.Ltmp2, $1  }
0x2f: {  	_ =	sdelay $0x3  }
0x30: {  	s17 =	simm.s32 $0x1  }
0x31: {  	s17 =	simm.s32 @!p0 $0x0  }
0x32: {  	s17 =	sshll.u32 s17, $0xE  }
0x33: {  	s18 =	sor.u32 $0x40, s17  }
0x34: {  	v1 =	vmov s18;
	_ =	sdelay $0x1  }
0x35: {  	_ =	swait.ge [sflag:s4], $0x4000  }
0x36: {  	[sflag:s4] =	ssyncset.done $0x0  }
0x37: {  	s19 =	simm.s32 $0x0;
	[sflag:s4] =	ssyncadd.s32 $0xFFFFC000  }
0x38: {  	s17 =	sor.u32 $0x8070, s17;
	v6 =	vld.idx.msk [tilespmem:v1+s19+$0x30 ss:$0x1], $0xffff  }
0x39: {  	v0 =	vmov s17;
	v8 =	vld.idx.msk [tilespmem:v1+s19+$0xFFFFFFC0 ss:$0x1], $0xffff  }
0x3a: {  	v7 =	vld.idx.msk [tilespmem:v1+s19+$0xFFFFFFD0 ss:$0x1], $0xffff  }
0x3b: {  	v5 =	vld.idx.msk [tilespmem:v1+s19+$0xFFFFFFE0 ss:$0x1], $0xffff  }
0x3c: {  	v4 =	vld.idx.msk [tilespmem:v1+s19+$0xFFFFFFF0 ss:$0x1], $0xffff  }
0x3d: {  	s31 =	sshll.u32 s8, $0xE;
	v2 =	vld.idx.msk [tilespmem:v1+s19+$0x0 ss:$0x1], $0xffff  }
0x3e: {  	s17 =	sand.u32 $0x4000, s31;
	v3 =	vld.idx.msk [tilespmem:v1+s19+$0x10 ss:$0x1], $0xffff;
	[tilespmem:v0+s19+$0x0 ss:$0x1] =	vst.idx.msk $0xffff, v6  }
0x3f: {  	s20 =	simm.s32 $0x400;
	s18 =	simm.s32 $0x80;
	s17 =	sor.u32 $0x8000, s17;
	[tilespmem:v0+s19+$0xFFFFFF90 ss:$0x1] =	vst.idx.msk $0xffff, v8;
	v6 =	vld.idx.msk [tilespmem:v1+s19+$0x20 ss:$0x1], $0xffff  }
.LBB1_3:
0x40: {  	p1 =	sne.s32 s20, $0xFE00;
	v8 =	vld.idx.msk [tilespmem:v1+s18+$0x30 ss:$0x1], $0xffff;
	[tilespmem:v0+s19+$0xFFFFFFA0 ss:$0x1] =	vst.idx.msk $0xffff, v7  }
0x41: {  	v9 =	vld.idx.msk [tilespmem:v1+s18+$0xFFFFFFC0 ss:$0x1], $0xffff;
	[tilespmem:v0+s19+$0xFFFFFFB0 ss:$0x1] =	vst.idx.msk $0xffff, v5  }
0x42: {  	v7 =	vld.idx.msk [tilespmem:v1+s18+$0xFFFFFFD0 ss:$0x1], $0xffff;
	[tilespmem:v0+s19+$0xFFFFFFC0 ss:$0x1] =	vst.idx.msk $0xffff, v4  }
.Ltmp3:
0x43: {  	v5 =	vld.idx.msk [tilespmem:v1+s18+$0xFFFFFFE0 ss:$0x1], $0xffff;
	[tilespmem:v0+s19+$0xFFFFFFD0 ss:$0x1] =	vst.idx.msk $0xffff, v2;
	(pc) =	sbr.rel @p1 .LBB1_3-.Ltmp3, $4  }
0x44: {  	v4 =	vld.idx.msk [tilespmem:v1+s18+$0xFFFFFFF0 ss:$0x1], $0xffff;
	[tilespmem:v0+s19+$0xFFFFFFE0 ss:$0x1] =	vst.idx.msk $0xffff, v3  }
0x45: {  	v2 =	vld.idx.msk [tilespmem:v1+s18+$0x0 ss:$0x1], $0xffff;
	[tilespmem:v0+s19+$0xFFFFFFF0 ss:$0x1] =	vst.idx.msk $0xffff, v6;
	s19 =	smov.u32 s18  }
0x46: {  	v3 =	vld.idx.msk [tilespmem:v1+s19+$0x10 ss:$0x1], $0xffff;
	[tilespmem:v0+s19+$0x0 ss:$0x1] =	vst.idx.msk $0xffff, v8  }
0x47: {  	s18 =	sshra.s32 s20, $0x2;
	s20 =	sadd.s32 $0x200, s20;
	[tilespmem:v0+s19+$0xFFFFFF90 ss:$0x1] =	vst.idx.msk $0xffff, v9;
	v6 =	vld.idx.msk [tilespmem:v1+s19+$0x20 ss:$0x1], $0xffff  }
0x48: {  	_ =	sdelay $0x2  }
0x49: {  	s20 =	sshrl.u32 s16, $0x3  }
0x4a: {  	s21 =	sshll.u32 s15, $0x3;
	[tilespmem:v0+s19+$0xFFFFFFA0 ss:$0x1] =	vst.idx.msk $0xffff, v7;
	s20 =	smul.u32 $0x1800, s20  }
0x4b: {  	s27 =	sshll.u32 s16, $0x7;
	v56 =	vld.idx.msk [tilespmem:v1+s18+$0x30 ss:$0x1], $0xffff;
	[tilespmem:v0+s19+$0xFFFFFFB0 ss:$0x1] =	vst.idx.msk $0xffff, v5;
	s21 =	sand.u32 $0xFFFFFC00, s21  }
0x4c: {  	v57 =	vld.idx.msk [tilespmem:v1+s18+$0xFFFFFFC0 ss:$0x1], $0xffff;
	s16 =	sand.u32 $0x380, s27;
	[tilespmem:v0+s19+$0xFFFFFFC0 ss:$0x1] =	vst.idx.msk $0xffff, v4;
	s20 =	sadd.s32 s20, s21  }
0x4d: {  	s28 =	sand.u32 $0x7F, s15;
	v58 =	vld.idx.msk [tilespmem:v1+s18+$0xFFFFFFD0 ss:$0x1], $0xffff;
	[tilespmem:v0+s19+$0xFFFFFFD0 ss:$0x1] =	vst.idx.msk $0xffff, v2;
	s16 =	sor.u32 s16, s20  }
0x4e: {  	v59 =	vld.idx.msk [tilespmem:v1+s18+$0xFFFFFFE0 ss:$0x1], $0xffff;
	[tilespmem:v0+s19+$0xFFFFFFE0 ss:$0x1] =	vst.idx.msk $0xffff, v3;
	s15 =	sor.u32 s28, s16;
	s16 =	smulhi.u32 $0xAAAAAAAB, s16  }
0x4f: {  	v60 =	vld.idx.msk [tilespmem:v1+s18+$0xFFFFFFF0 ss:$0x1], $0xffff;
	[tilespmem:v0+s19+$0xFFFFFFF0 ss:$0x1] =	vst.idx.msk $0xffff, v6;
	s29 =	smulhi.u32 $0xAAAAAAAB, s15  }
0x50: {  	v61 =	vld.idx.msk [tilespmem:v1+s18+$0x0 ss:$0x1], $0xffff;
	s14 =	smul.u32 $0xC0000, s14;
	[tilespmem:v0+s18+$0x0 ss:$0x1] =	vst.idx.msk $0xffff, v56  }
0x51: {  	v62 =	vld.idx.msk [tilespmem:v1+s18+$0x10 ss:$0x1], $0xffff;
	s13 =	smul.u32 $0x300, s13;
	[tilespmem:v0+s18+$0xFFFFFF90 ss:$0x1] =	vst.idx.msk $0xffff, v57;
	s16 =	sshrl.u32 s16, $0x9;
	s30 =	sshrl.u32 s29, $0x9  }
0x52: {  	v63 =	vld.idx.msk [tilespmem:v1+s18+$0x20 ss:$0x1], $0xffff;
	[tilespmem:v0+s18+$0xFFFFFFA0 ss:$0x1] =	vst.idx.msk $0xffff, v58;
	s16 =	sand.u32 $0x7, s16;
	s19 =	smul.u32 $0x300, s30  }
0x53: {  	[tilespmem:v0+s18+$0xFFFFFFB0 ss:$0x1] =	vst.idx.msk $0xffff, v59;
	s16 =	smul.u32 $0x60, s16  }
.Ltmp4:
0x54: {  	s14 =	sadd.s32 s3, s14;
	[tilespmem:v0+s18+$0xFFFFFFC0 ss:$0x1] =	vst.idx.msk $0xffff, v60;
	s15 =	ssub.s32 s15, s19;
	(pc) =	sbr.rel .LBB1_5-.Ltmp4, $4  }
0x55: {  	s13 =	sadd.s32 s13, s14;
	[tilespmem:v0+s18+$0xFFFFFFD0 ss:$0x1] =	vst.idx.msk $0xffff, v61;
	s31 =	sand.u32 $0x7, s15  }
0x56: {  	[tilespmem:v0+s18+$0xFFFFFFE0 ss:$0x1] =	vst.idx.msk $0xffff, v62;
	s13 =	sadd.s32 s16, s13;
	s15 =	sshrl.u32 s15, $0x3;
	s14 =	sshll.u32 s31, $0x12  }
0x57: {  	[tilespmem:v0+s18+$0xFFFFFFF0 ss:$0x1] =	vst.idx.msk $0xffff, v63;
	s13 =	sadd.s32 s15, s13;
	s14 =	sor.u32 $0x80, s14  }
0x58: {  	[hbm4b:s13+s14] =	stream.strided.scatter [tilespmem:s17], [sflag:$0x2], $0x4000, s7, s14, $0x38;
	[tilespmem:$0x10000] =	vst v63  }
.LBB1_6:
0x59: {  	_ =	sfence.sel $0x180000  }
0x5a: {  	s2 =	simm.s32 $0x1;
	[bflag:$0x0] =	sbarrier.arrive $0xFFFF  }
0x5b: {  	s31 =	simm.s32 $0x2;
	[sflag:s2] =	ssyncpa.u1 $0x1  }
0x5c: {  	[sflag:s31] =	ssyncpa.u1 $0x1  }
0x5d: {  	p0 =	sne.s32 s1, $0x0;
	_ =	strace $0x90000047  }
0x5e: {  	s0 =	sadd.s32 @!p0 $0x100000, s0;
	[bflag:$0x2] =	sbarrier.arrive $0xFFFF  }
0x5f: {  	[sflag:s0] =	ssyncadd.tile.s32 @!p0 $0x1;
	_ =	shalt  }
.Lfunc_end1:
_tile_overlayer_lowered:
.L_overlay_start_2:
0x60: {  	(tag) =	ssettag $0x2  }
0x61: {  	s0 =	rddreg [dreg:$0x0];
	s2 =	stileid.u32  }
0x62: {  	s1 =	rddreg [dreg:$0x1];
	p0 =	sne.s32 s2, $0x0  }
0x63: {  	s3 =	rddreg [dreg:$0x2];
	[bflag:$0x3] =	sbarrier.arrive $0xFFFF;
	s2 =	simm.s32 @!p0 $0x1C01  }
0x64: {  	[timem:s3], [sflag:s2] =	dma.local @!p0 [hbm:s0], s1  }
0x65: {  	s0 =	simm.s32 @!p0 $0x1  }
0x66: {  	_ =	swait.ge @!p0 [sflag:s0], s1  }
0x67: {  	s1 =	ssub.s32 @!p0 $0x0, s1;
	[sflag:s0] =	ssyncset.done @!p0 $0x0  }
0x68: {  	[sflag:s0] =	ssyncadd.s32 @!p0 s1  }
0x69: {  	[bflag:$0x3] =	sbarrier.arrive $0xFFFF  }
0x6a: {  	_ =	shalt  }

// kernel: sparse-core-data-format-call.cloned.1.call-start
scs
called_computation_lowered:
.L_overlay_start_0:
0x0: {  	s2 =	sld [smem:$0x3FD9]  }
0x1: {  	s3 =	sld [smem:$0x3FFE];
	_ =	sdelay $0x1  }
0x2: {  	s1 =	srdreg.scid  }
0x3: {  	s0 =	sand.u32 $0x1, s1  }
0x4: {  	s18 =	sshll.u32 s0, $0xA;
	s2 =	sadd.s32 s3, s2  }
0x5: {  	s2 =	sadd.s32 s2, s18  }
0x6: {  	[smem:$0x3FC5] =	sst s2  }
0x7: {  	_ = 	snop  }
0x8: {  	s2 =	sld [smem:$0x3FD0];
	(tm) =	ssettm $0x1  }
0x9: {  	s19 =	sld [smem:$0x3FFB];
	_ =	sdelay $0x3  }
0xa: {  	_ =	strace s19  }
0xb: {  	s3 =	sld [smem:$0x3FFC];
	_ =	sdelay $0x3  }
0xc: {  	_ =	strace s3  }
0xd: {  	s3 =	sld [smem:$0x3FFD];
	_ =	sdelay $0x3  }
0xe: {  	_ =	strace s3  }
0xf: {  	_ =	strace $0x8FFFFFFF  }
0x10: {  	s20 =	sld [smem:$0x3FDB];
	_ =	sdelay $0x1  }
0x11: {  	s4 =	simm.s32 $_scs_section_size  }
0x12: {  	s5 =	simm.s32 $_size__tile_overlayer_lowered;
	s6 =	simm.s32 $_tile_overlayer_lowered  }
0x13: {  	s23 =	simm.s32 $0x1BFF;
	s22 =	sshll.u32 s6, $0x1;
	s3 =	sadd.s32 s4, s20  }
0x14: {  	s7 =	simm.s32 $0x0;
	s21 =	sshll.u32 s5, $0x1;
	s5 =	sadd.s32 s22, s3  }
0x15: {  	[timem:s7], [sflag:s23] =	dma.local [hbm:s5], s21  }
0x16: {  	_ =	swait.ge [sflag:s23], s21  }
0x17: {  	s4 =	ssub.s32 $0x0, s21;
	[sflag:s23] =	ssyncset.done $0x0  }
0x18: {  	[sflag:s23] =	ssyncadd.s32 s4;
	_ =	sdelay $0x1  }
0x19: {  	s24 =	simm.s32 $0x1B8B  }
0x1a: {  	_ =	swait.ge [sflag:s24], $0x1  }
0x1b: {  	[sflag:s24] =	ssyncset.done $0x0  }
0x1c: {  	s26 =	simm.s32 $0x1B8E;
	s25 =	sld [smem:$0x3FFE];
	[sflag:s24] =	ssyncadd.s32 $0xFFFFFFFF  }
0x1d: {  	s27 =	simm.s32 $execute0_lowered;
	[smem:$0x3FD2] =	sst s26  }
0x1e: {  	s5 =	sshll.u32 s27, $0x1;
	_ =	strace $0x8000004C;
	[dreg:$0x1] =	wrdreg $0xFFFFFFFF  }
0x1f: {  	s28 =	simm.s32 $_size_execute0_lowered;
	s3 =	sadd.s32 s3, s5;
	[dreg:$0x0] =	wrdreg $0x0  }
0x20: {  	s5 =	sshll.u32 s28, $0x1;
	[dreg:$0x2] =	wrdreg s3  }
0x21: {  	[dreg:$0x3] =	wrdreg s5  }
0x22: {  	[dreg:$0x4] =	wrdreg $0xC0  }
0x23: {  	_ =	task [dreg:s7], $0x5FFFF  }
0x24: {  	[dreg:$0x1] =	wrdreg $0xFFFFFFFF  }
0x25: {  	[dreg:$0x0] =	wrdreg $0x60  }
0x26: {  	[dreg:$0x2] =	wrdreg s25  }
0x27: {  	[dreg:$0x3] =	wrdreg s2  }
0x28: {  	[dreg:$0x4] =	wrdreg $0x9  }
0x29: {  	_ =	task.clear_ibuf [dreg:s7], $0x5FFFF;
	_ =	strace $0x9000004C  }
0x2a: {  	s29 =	simm.s32 $0x9;
	_ =	strace $0x8000004E  }
0x2b: {  	_ =	swait.ge [sflag:s29], $0x1  }
0x2c: {  	[sflag:s29] =	ssyncadd.s32 $0xFFFFFFFF  }
0x2d: {  	_ =	strace $0x9000004E  }
0x2e: {  	_ =	sfence  }
0x2f: {  	s30 =	sld [smem:$0x0];
	_ =	sdelay $0x2  }
0x30: {  	s31 =	sshll.u32 s1, $0xD;
	s1 =	sshrl.u32 s1, $0x2  }
0x31: {  	s3 =	sand.u32 $0x4000, s31;
	s1 =	sadd.s32 s1, s30  }
0x32: {  	s0 =	sor.u32 s3, s0;
	s1 =	sshll.u32 s1, $0x11  }
0x33: {  	s0 =	sor.u32 s1, s0  }
0x34: {  	s0 =	sadd.s32 $0x8F2B, s0  }
0x35: {  	[sflag:s0] =	ssyncadd.remote.s32 $0x1  }
0x36: {  	_ =	sfence.sel $0xFFFF  }
0x37: {  	[dreg:$0x0] =	wrdreg $0xFFFFFFFF;
	(pc) =	sbr.abs _section_cstart, $3  }
0x38: {  	[dreg:$0x1] =	wrdreg $0xFFFFFFFF  }
0x39: {  	_ =	task.clear_ibuf [dreg:s7], $0x2FFFF;
	_ =	strace $0x9FFFFFFF  }
0x3a: {  	(tm) =	ssettm $0x7FFFFFFF  }
0x3b: {  	_ =	shalt  }
tec
execute0_lowered:
.L_overlay_start_1:
0x0: {  	(tag) =	ssettag $0x1  }
0x1: {  	s7 =	stileid.u32;
	s6 =	rddreg [dreg:$0x0]  }
0x2: {  	s0 =	srdreg.scid;
	s3 =	rddreg [dreg:$0x1]  }
0x3: {  	_ =	strace $0x8000004D;
	s1 =	sshll.u32 s7, $0x1;
	s0 =	sshll.u32 s0, $0x5  }
0x4: {  	s4 =	simm.s32 $0x1;
	s31 =	simm.s32 $0x2;
	s0 =	sor.u32 s1, s0  }
0x5: {  	s17 =	simm.s32 $0x0;
	s9 =	simm.s32 $0xC0000;
	s2 =	sand.u32 $0x38, s0  }
0x6: {  	s10 =	simm.s32 $0x0;
	s16 =	simm.s32 $0x0;
	s0 =	ssub.s32 $0x400, s2  }
0x7: {  	s19 =	simm.s32 $0x0;
	s18 =	simm.s32 $0x0;
	s30 =	sand.u32 $0x38, s0  }
0x8: {  	s11 =	simm.s32 $0x0;
	s1 =	simm.s32 $0x1;
	p0 =	sne.s32 s30, $0x0  }
.Ltmp0:
0x9: {  	s0 =	sshrl.u32 s0, $0x6;
	s1 =	simm.s32 @!p0 $0x0;
	(pc) =	sbr.rel .LBB1_1-.Ltmp0, $4  }
0xa: {  	s12 =	simm.s32 $0x0;
	s15 =	simm.s32 $0x0;
	s0 =	sadd.s32 s1, s0  }
0xb: {  	s25 =	simm.s32 $0x0;
	[sflag:s4] =	ssyncpa.u1 $0x0;
	s5 =	smul.u32 $0x3, s0  }
0xc: {  	s6 =	sadd.s32 $0x1A00, s6;
	s7 =	sand.u32 $0x3, s7;
	[sflag:s31] =	ssyncpa.u1 $0x0  }
0xd: {  	s14 =	smov.u32 s7;
	s13 =	smov.u32 s2;
	s8 =	sadd.s32 $0x1, s5  }
.LBB1_7:
0xe: {  	s0 =	sadd.s32 $0x100, s11  }
0xf: {  	s1 =	sadd.s32 $0x8, s12;
	s20 =	smov.u32 s12;
	p1 =	sgt.s32 s0, $0x2FF  }
0x10: {  	s20 =	smov.u32 @p1 s1  }
0x11: {  	s21 =	smov.u32 s13;
	s1 =	sadd.s32 $0x40, s13;
	p2 =	sgt.s32 s20, $0x7  }
0x12: {  	s21 =	smov.u32 @p2 s1  }
0x13: {  	s22 =	smov.u32 s14;
	s1 =	sadd.s32 $0x4, s14;
	p3 =	sgt.s32 s21, $0x3FF  }
0x14: {  	p0 =	slt.u32 s15, $0x2;
	s22 =	smov.u32 @p3 s1  }
0x15: {  	s17 =	smov.u32 s11;
	s0 =	simm.s32 @p1 $0x0;
	p1 =	sgt.s32 s22, $0x3  }
0x16: {  	s16 =	smov.u32 s12;
	s22 =	smov.u32 @p1 s7;
	p1 =	sne.s32 s15, s8  }
.Ltmp1:
0x17: {  	s19 =	smov.u32 s13;
	s18 =	smov.u32 s14;
	(pc) =	sbr.rel @!p1 .LBB1_8-.Ltmp1, $4  }
0x18: {  	s10 =	sadd.s32 $0x4000, s10;
	s11 =	smov.u32 s0;
	s1 =	simm.s32 @!p0 $0x2  }
0x19: {  	s20 =	simm.s32 @p2 $0x0;
	s21 =	smov.u32 @p3 s2;
	_ =	swait.ge @!p0 [sflag:s1], $0x4000  }
0x1a: {  	s12 =	smov.u32 s20;
	s13 =	smov.u32 s21;
	[sflag:s1] =	ssyncset.done @!p0 $0x0  }
0x1b: {  	s15 =	sadd.s32 $0x1, s15;
	[sflag:s1] =	ssyncadd.s32 @!p0 $0xFFFFC000;
	s14 =	smov.u32 s22  }
.LBB1_1:
0x1c: {  	p0 =	sge.u32 s15, s5  }
0x1d: {  	s0 =	sshrl.u32 @!p0 s12, $0x3  }
0x1e: {  	s1 =	sshll.u32 @!p0 s11, $0x3;
	s0 =	smul.u32 @!p0 $0x1800, s0  }
0x1f: {  	s20 =	sshll.u32 @!p0 s12, $0x7;
	s1 =	sand.u32 @!p0 $0xFFFFFC00, s1  }
0x20: {  	s0 =	sadd.s32 @!p0 s0, s1;
	s1 =	sand.u32 @!p0 $0x380, s20  }
0x21: {  	s20 =	sand.u32 @!p0 $0x7F, s11;
	s0 =	sor.u32 @!p0 s1, s0  }
0x22: {  	s1 =	sor.u32 @!p0 s20, s0  }
0x23: {  	s20 =	smulhi.u32 @!p0 $0xAAAAAAAB, s1  }
0x24: {  	s0 =	smulhi.u32 @!p0 $0xAAAAAAAB, s0  }
0x25: {  	s31 =	sadd.s32 $0xFFFFFFFF, s15;
	s22 =	smul.u32 @!p0 $0xC0000, s14;
	s20 =	sshrl.u32 @!p0 s20, $0x9  }
0x26: {  	s21 =	sxor.u32 @!p0 $0xFFFFFFFF, s15;
	s0 =	sshrl.u32 @!p0 s0, $0x9;
	s20 =	smul.u32 @!p0 $0x300, s20  }
0x27: {  	s23 =	smul.u32 @!p0 $0x300, s13;
	s21 =	sshll.u32 @!p0 s21, $0xE;
	s0 =	sand.u32 @!p0 $0x7, s0  }
0x28: {  	s0 =	smul.u32 @!p0 $0x60, s0;
	s1 =	ssub.s32 @!p0 s1, s20;
	s20 =	sadd.s32 @!p0 s6, s22  }
0x29: {  	s21 =	sand.u32 @!p0 $0x4000, s21;
	s20 =	sadd.s32 @!p0 s23, s20;
	s22 =	sand.u32 @!p0 $0x7, s1  }
0x2a: {  	s1 =	sshrl.u32 @!p0 s1, $0x3;
	s0 =	sadd.s32 @!p0 s0, s20;
	s20 =	sshll.u32 @!p0 s22, $0x12  }
0x2b: {  	s0 =	sadd.s32 @!p0 s1, s0;
	s1 =	sor.u32 @!p0 $0x800, s20;
	s20 =	simm.s32 @!p0 $0x1800  }
0x2c: {  	[tilespmem:s21], [sflag:$0x1] =	stream.strided.gather @!p0 [hbm4b:s0+s1], $0x4000, s20, s1, $0x38;
	[tilespmem:$0x10000] =	vst v63  }
0x2d: {  	p0 =	sge.u32 s31, s5  }
.Ltmp2:
0x2e: {  	_ = 	snop;
	(pc) =	sbr.rel @p0 .LBB1_7-.Ltmp2, $1  }
0x2f: {  	_ =	sdelay $0x3  }
0x30: {  	s0 =	sshll.u32 s10, $0x2;
	_ =	swait.ge [sflag:s4], $0x4000;
	s1 =	sshll.u32 s15, $0xE  }
0x31: {  	p0 =	por $0x0, $0x0;
	s26 =	simm.s32 $0x0;
	s27 =	simm.s32 $0x0  }
0x32: {  	s0 =	sand.u32 $0x10000, s0;
	[sflag:s4] =	ssyncset.done $0x0;
	s23 =	sand.u32 $0x4000, s1  }
0x33: {  	s0 =	sshrl.u32 s0, $0x2;
	[sflag:s4] =	ssyncadd.s32 $0xFFFFC000;
	s20 =	sor.u32 $0x8000, s23  }
0x34: {  	s21 =	sor.u32 $0x40, s0;
	s22 =	sor.u32 $0x8410, s0;
	s24 =	sadd.s32 $0x8400, s0  }
.LBB1_3:
0x35: {  	v1 =	vld [tilespmem:s21+$0xFFFFFFD0]  }
0x36: {  	v2 =	vld [tilespmem:s21+$0x430]  }
0x37: {  	s0 =	sshll.u32 s27, $0xB;
	v4 =	vld [tilespmem:s21+$0xFFFFFFE0]  }
0x38: {  	v7 =	vld [tilespmem:s21+$0xFFFFFFF0];
	v0 =	vmov s0  }
0x39: {  	v8 =	vld [tilespmem:s21+$0x0]  }
0x3a: {  	v9 =	vld [tilespmem:s21+$0x10];
	s0 =	sand.u32 $0x300, s25  }
0x3b: {  	s1 =	sand.u32 $0x80, s25;
	v10 =	vld [tilespmem:s21+$0x20];
	s0 =	sadd.s32 s0, s23  }
0x3c: {  	v11 =	vld [tilespmem:s21+$0x30];
	s0 =	sadd.s32 s1, s0;
	s1 =	simm.s32 $0x1;
	[tilespmem:s22+$0x60] =	vst v2  }
0x3d: {  	s1 =	simm.s32 @!p0 $0x0;
	[tilespmem:s22+$0xFFFFFC00] =	vst v1;
	v3 =	vld.idx.msk [tilespmem:v0+s0+$0x400 ss:$0x1], $0xffff;
	s0 =	sshll.u32 s26, $0x2  }
0x3e: {  	v6 =	vld [tilespmem:s21+$0x3D0];
	s1 =	sshll.u32 s1, $0x9;
	[tilespmem:s22+$0xFFFFFC10] =	vst v4;
	s0 =	sand.u32 $0xFFFFFC00, s0  }
0x3f: {  	v5 =	vld [tilespmem:s21+$0x3E0];
	[tilespmem:s22+$0xFFFFFC20] =	vst v7;
	s0 =	sor.u32 s1, s0  }
0x40: {  	[tilespmem:s22+$0xFFFFFC30] =	vst v8;
	v4 =	vld [tilespmem:s21+$0x400];
	s0 =	sshrl.u32 s0, $0x2  }
0x41: {  	[tilespmem:s22+$0xFFFFFC40] =	vst v9;
	v1 =	vld [tilespmem:s21+$0x410];
	s28 =	sadd.s32 s0, s24  }
0x42: {  	[tilespmem:s28+$0x0] =	vst v3;
	v3 =	vld [tilespmem:s21+$0x3F0]  }
0x43: {  	s31 =	simm.s32 $0x100;
	[tilespmem:s22+$0xFFFFFC50] =	vst v10;
	v2 =	vld [tilespmem:s21+$0x420];
	s1 =	simm.s32 $0x80  }
0x44: {  	s29 =	sadd.s32 $0x80, s21;
	s30 =	smov.u32 s22;
	v7 =	vld [tilespmem:s21+$0xFFFFFFC0];
	[tilespmem:s22+$0xFFFFFC60] =	vst v11;
	s0 =	sand.u32 $0x300, s1  }
.LBB1_4:
0x45: {  	p1 =	sne.s32 s31, $0x380;
	v8 =	vld [tilespmem:s29+$0xFFFFFFD0];
	s1 =	sand.u32 $0x80, s1;
	s0 =	sadd.s32 s0, s23;
	[tilespmem:s30+$0x0] =	vst v6  }
0x46: {  	s0 =	sadd.s32 s1, s0;
	v6 =	vld [tilespmem:s29+$0x430];
	[tilespmem:s30+$0x10] =	vst v5;
	s1 =	smov.u32 s31  }
0x47: {  	v5 =	vld.idx.msk [tilespmem:v0+s0+$0x400 ss:$0x1], $0xffff;
	[tilespmem:s30+$0x20] =	vst v3  }
0x48: {  	v3 =	vld [tilespmem:s29+$0xFFFFFFE0];
	[tilespmem:s30+$0x30] =	vst v4  }
0x49: {  	v4 =	vld [tilespmem:s29+$0xFFFFFFF0];
	[tilespmem:s30+$0xFFFFFBF0] =	vst v7  }
0x4a: {  	v7 =	vld [tilespmem:s29+$0x0];
	[tilespmem:s30+$0x40] =	vst v1  }
0x4b: {  	v1 =	vld [tilespmem:s29+$0x10];
	[tilespmem:s30+$0x50] =	vst v2;
	s30 =	sadd.s32 $0x800, s30  }
0x4c: {  	s28 =	sadd.s32 $0x800, s28;
	v2 =	vld [tilespmem:s29+$0x20];
	[tilespmem:s30+$0x60] =	vst v6  }
0x4d: {  	v9 =	vld [tilespmem:s29+$0x30];
	[tilespmem:s28+$0x0] =	vst v5  }
0x4e: {  	[tilespmem:s30+$0xFFFFFC00] =	vst v8;
	v6 =	vld [tilespmem:s29+$0x3D0]  }
0x4f: {  	[tilespmem:s30+$0xFFFFFC10] =	vst v3;
	v5 =	vld [tilespmem:s29+$0x3E0]  }
.Ltmp3:
0x50: {  	[tilespmem:s30+$0xFFFFFC20] =	vst v4;
	v3 =	vld [tilespmem:s29+$0x3F0];
	(pc) =	sbr.rel @p1 .LBB1_4-.Ltmp3, $4  }
0x51: {  	[tilespmem:s30+$0xFFFFFC30] =	vst v7;
	v4 =	vld [tilespmem:s29+$0x400]  }
0x52: {  	[tilespmem:s30+$0xFFFFFC40] =	vst v1;
	v1 =	vld [tilespmem:s29+$0x410]  }
0x53: {  	[tilespmem:s30+$0xFFFFFC50] =	vst v2;
	v2 =	vld [tilespmem:s29+$0x420]  }
0x54: {  	s31 =	sadd.s32 $0x80, s31;
	s0 =	sand.u32 $0x300, s1;
	v7 =	vld [tilespmem:s29+$0xFFFFFFC0];
	[tilespmem:s30+$0xFFFFFC60] =	vst v9;
	s29 =	sadd.s32 $0x80, s29  }
0x55: {  	[tilespmem:s30+$0x0] =	vst v6  }
0x56: {  	[tilespmem:s30+$0x10] =	vst v5  }
0x57: {  	v49 =	vld [tilespmem:s29+$0x430];
	[tilespmem:s30+$0x20] =	vst v3  }
0x58: {  	v50 =	vld [tilespmem:s29+$0xFFFFFFD0];
	[tilespmem:s30+$0x30] =	vst v4  }
0x59: {  	v51 =	vld [tilespmem:s29+$0xFFFFFFE0];
	[tilespmem:s30+$0x40] =	vst v1  }
0x5a: {  	v52 =	vld [tilespmem:s29+$0xFFFFFFF0];
	[tilespmem:s30+$0x50] =	vst v2  }
0x5b: {  	v53 =	vld [tilespmem:s29+$0x0];
	[tilespmem:s30+$0xFFFFFBF0] =	vst v7;
	s30 =	sadd.s32 $0x800, s30  }
0x5c: {  	v54 =	vld [tilespmem:s29+$0x10];
	[tilespmem:s30+$0x60] =	vst v49  }
0x5d: {  	v55 =	vld [tilespmem:s29+$0x20];
	[tilespmem:s30+$0xFFFFFC00] =	vst v50  }
0x5e: {  	v56 =	vld [tilespmem:s29+$0x30];
	[tilespmem:s30+$0xFFFFFC10] =	vst v51  }
0x5f: {  	v57 =	vld [tilespmem:s29+$0x3D0];
	[tilespmem:s30+$0xFFFFFC20] =	vst v52  }
0x60: {  	v58 =	vld [tilespmem:s29+$0x3E0];
	[tilespmem:s30+$0xFFFFFC30] =	vst v53  }
0x61: {  	v59 =	vld [tilespmem:s29+$0x3F0];
	[tilespmem:s30+$0xFFFFFC40] =	vst v54  }
0x62: {  	v60 =	vld [tilespmem:s29+$0x400];
	[tilespmem:s30+$0xFFFFFC50] =	vst v55  }
0x63: {  	v61 =	vld [tilespmem:s29+$0xFFFFFFC0];
	[tilespmem:s30+$0xFFFFFC60] =	vst v56  }
0x64: {  	s1 =	sand.u32 $0x80, s1;
	s0 =	sadd.s32 s0, s23;
	v62 =	vld [tilespmem:s29+$0x410];
	[tilespmem:s30+$0x0] =	vst v57  }
0x65: {  	v63 =	vld [tilespmem:s29+$0x420];
	s27 =	sadd.s32 $0x1, s27;
	s0 =	sadd.s32 s1, s0;
	[tilespmem:s30+$0x10] =	vst v58  }
0x66: {  	p1 =	sne.s32 s27, $0x8;
	v0 =	vld.idx.msk [tilespmem:v0+s0+$0x400 ss:$0x1], $0xffff;
	[tilespmem:s30+$0x20] =	vst v59  }
.Ltmp4:
0x67: {  	[tilespmem:s30+$0x30] =	vst v60;
	(pc) =	sbr.rel @p1 .LBB1_3-.Ltmp4, $4  }
0x68: {  	[tilespmem:s30+$0xFFFFFBF0] =	vst v61  }
0x69: {  	[tilespmem:s30+$0x40] =	vst v62  }
0x6a: {  	s31 =	sadd.s32 $0x800, s28;
	s21 =	sadd.s32 $0x800, s21;
	[tilespmem:s30+$0x50] =	vst v63  }
0x6b: {  	s26 =	sadd.s32 $0x80, s26;
	p0 =	por !p0, !p0;
	s22 =	sadd.s32 $0x80, s22;
	[tilespmem:s31+$0x0] =	vst v0  }
0x6c: {  	s0 =	sshrl.u32 s19, $0x3  }
0x6d: {  	s1 =	sshll.u32 s17, $0x3;
	s0 =	smul.u32 $0x1800, s0  }
0x6e: {  	s24 =	sshll.u32 s19, $0x7;
	s1 =	sand.u32 $0xFFFFFC00, s1  }
0x6f: {  	s26 =	sand.u32 $0x380, s24;
	s0 =	sadd.s32 s0, s1  }
0x70: {  	s27 =	sand.u32 $0x7F, s17;
	s0 =	sor.u32 s26, s0  }
0x71: {  	s1 =	sor.u32 s27, s0;
	s0 =	smulhi.u32 $0xAAAAAAAB, s0  }
0x72: {  	s17 =	smulhi.u32 $0xAAAAAAAB, s1  }
0x73: {  	s18 =	smul.u32 $0xC0000, s18  }
0x74: {  	s16 =	smul.u32 $0x18000, s16;
	s0 =	sshrl.u32 s0, $0x9;
	s17 =	sshrl.u32 s17, $0x9  }
0x75: {  	s0 =	sand.u32 $0x3FF, s0;
	s17 =	smul.u32 $0x300, s17  }
0x76: {  	s0 =	smul.u32 $0x60, s0  }
.Ltmp5:
0x77: {  	s28 =	sadd.s32 s3, s18;
	s1 =	ssub.s32 s1, s17;
	(pc) =	sbr.rel .LBB1_7-.Ltmp5, $4  }
0x78: {  	s16 =	sadd.s32 s16, s28;
	s29 =	sand.u32 $0x7, s1  }
0x79: {  	s0 =	sadd.s32 s0, s16;
	s1 =	sshrl.u32 s1, $0x3;
	s30 =	sshll.u32 s29, $0x12  }
0x7a: {  	s0 =	sadd.s32 s1, s0;
	s31 =	sor.u32 $0x800, s30  }
0x7b: {  	[hbm4b:s0+s31] =	stream.strided.scatter [tilespmem:s20], [sflag:$0x2], $0x4000, s9, s31, $0x38;
	[tilespmem:$0x10000] =	vst v63  }
.LBB1_8:
0x7c: {  	_ =	sfence.sel $0x180000  }
0x7d: {  	s0 =	simm.s32 $0x1;
	[bflag:$0x0] =	sbarrier.arrive $0xFFFF  }
0x7e: {  	s30 =	simm.s32 $0x2;
	[sflag:s0] =	ssyncpa.u1 $0x1  }
0x7f: {  	[sflag:s30] =	ssyncpa.u1 $0x1  }
0x80: {  	_ =	strace $0x9000004D  }
0x81: {  	s31 =	stileid.u32;
	[bflag:$0x2] =	sbarrier.arrive $0xFFFF  }
0x82: {  	p0 =	sne.s32 s31, $0x0;
	s0 =	rddreg [dreg:$0x2]  }
0x83: {  	s0 =	sadd.s32 @!p0 $0x100000, s0  }
0x84: {  	[sflag:s0] =	ssyncadd.tile.s32 @!p0 $0x1;
	_ =	shalt  }
.Lfunc_end1:
_tile_overlayer_lowered:
.L_overlay_start_2:
0x85: {  	(tag) =	ssettag $0x2  }
0x86: {  	s0 =	rddreg [dreg:$0x0];
	s2 =	stileid.u32  }
0x87: {  	s1 =	rddreg [dreg:$0x1];
	p0 =	sne.s32 s2, $0x0  }
0x88: {  	s3 =	rddreg [dreg:$0x2];
	[bflag:$0x3] =	sbarrier.arrive $0xFFFF;
	s2 =	simm.s32 @!p0 $0x1C01  }
0x89: {  	[timem:s3], [sflag:s2] =	dma.local @!p0 [hbm:s0], s1  }
0x8a: {  	s0 =	simm.s32 @!p0 $0x1  }
0x8b: {  	_ =	swait.ge @!p0 [sflag:s0], s1  }
0x8c: {  	s1 =	ssub.s32 @!p0 $0x0, s1;
	[sflag:s0] =	ssyncset.done @!p0 $0x0  }
0x8d: {  	[sflag:s0] =	ssyncadd.s32 @!p0 s1  }
0x8e: {  	[bflag:$0x3] =	sbarrier.arrive $0xFFFF  }
0x8f: {  	_ =	shalt  }

</sc_bundles>
